<compile_context>
chip_gen: v7x
topology: tpu7x:2x2x1
jax: 0.10.2.dev20260603
libtpu: 0.0.44.dev20260713+nightly
codegen_flags: <defaults>
</compile_context>

<pallas_src>
import functools

import jax
import jax.numpy as jnp
from jax import lax
from jax.experimental import pallas as pl
from jax.experimental.pallas import tpu as pltpu
from jax.experimental.pallas import tpu_sc as plsc

_ALPHA = 0.25
_BB = 8


def _dense_body(xt_ref, sit_ref, tlt_ref, ce_ref, cls_ref, *, inv_nb):
    g = pl.program_id(0)
    C, BB, Q = xt_ref.shape
    T, B = sit_ref.shape

    @pl.when(g == 0)
    def _first():
        ce_ref[...] = jnp.zeros((1, 1), jnp.float32)
        sit = sit_ref[...]
        tlt = tlt_ref[...]
        qio = lax.broadcasted_iota(jnp.int32, (T, B, Q), 2)
        eq = sit[:, :, None] == qio
        tio2 = lax.broadcasted_iota(jnp.int32, (T, B), 0)
        key = tio2 * 128 + tlt
        kmax = jnp.max(jnp.where(eq, key[:, :, None], -1), axis=0)
        cls_ref[...] = jnp.where(kmax >= 0, kmax & 127, C)

    x = xt_ref[...]
    cls_blk = cls_ref[pl.ds(pl.multiple_of(g * BB, BB), BB), :]
    cio = lax.broadcasted_iota(jnp.int32, (C, BB, Q), 0)
    mb = cio == cls_blk[None]
    e = jnp.exp(-jnp.abs(x))
    d = 1.0 + e
    l = jnp.log(d)
    sp = jnp.maximum(x, 0.0) + l
    r = 1.0 / d
    p = jnp.where(x >= 0.0, r, 1.0 - r)
    acc0 = jnp.sum(p * (p * sp))
    xm = jnp.sum(jnp.where(mb, x, 0.0), axis=0)

    em = jnp.exp(-jnp.abs(xm))
    dm = 1.0 + em
    lm = jnp.log(dm)
    spm = jnp.maximum(xm, 0.0) + lm
    rm = 1.0 / dm
    pm = jnp.where(xm >= 0.0, rm, 1.0 - rm)
    omm = 1.0 - pm
    delta = (_ALPHA * omm * omm * (spm - xm)
             - (1.0 - _ALPHA) * pm * pm * spm)
    delta = jnp.where(cls_blk < C, delta, 0.0)
    ce_ref[...] += (((1.0 - _ALPHA) * acc0 + jnp.sum(delta))
                    * inv_nb).reshape(1, 1)


def _sc_box_body(pb_hbm, tb_hbm, si_hbm, out_hbm,
                 si_v, idx_v, sv, tv, obuf, sem, *, B, Q, T):
    NPAIR = B * T
    per_w = NPAIR // 32
    nch = (per_w + 15) // 16
    wid = lax.axis_index("s") * 2 + lax.axis_index("c")
    base = wid * per_w

    pltpu.sync_copy(si_hbm.at[pl.ds(base, per_w)], si_v.at[pl.ds(0, per_w)])
    for k in range(4):
        pltpu.sync_copy(tb_hbm.at[pl.ds(k * NPAIR + base, per_w)],
                        tv[k].at[pl.ds(0, per_w)])

    lane = lax.iota(jnp.int32, 16)
    for c in range(nch):
        r = lane + (16 * c)
        valid = r < per_w
        b = jnp.full((16,), wid * (per_w // T), jnp.int32)
        for k in range(1, (nch * 16 - 1) // T + 1):
            b = b + jnp.where(r >= k * T,
                              jnp.full((16,), 1, jnp.int32),
                              jnp.full((16,), 0, jnp.int32))
        sidx = si_v[pl.ds(16 * c, 16)]
        gidx = jnp.where(valid, b * Q + sidx, 0)
        for k in range(4):
            idx_v[k][pl.ds(16 * c, 16)] = gidx + (k * B * Q)

    for k in range(4):
        pltpu.async_copy(pb_hbm.at[idx_v[k]], sv[k], sem).wait()

    l1a = jnp.zeros((16,), jnp.float32)
    gia = jnp.zeros((16,), jnp.float32)
    for c in range(nch):
        r = lane + (16 * c)
        valid = r < per_w
        sl = pl.ds(16 * c, 16)
        scx, scy, sw, sh = sv[0][sl], sv[1][sl], sv[2][sl], sv[3][sl]
        tcx, tcy, tw, th = tv[0][sl], tv[1][sl], tv[2][sl], tv[3][sl]
        l1 = (jnp.abs(scx - tcx) + jnp.abs(scy - tcy)
              + jnp.abs(sw - tw) + jnp.abs(sh - th))
        l1a = l1a + jnp.where(valid, l1, 0.0)

        sx0, sx1 = scx - 0.5 * sw, scx + 0.5 * sw
        sy0, sy1 = scy - 0.5 * sh, scy + 0.5 * sh
        tx0, tx1 = tcx - 0.5 * tw, tcx + 0.5 * tw
        ty0, ty1 = tcy - 0.5 * th, tcy + 0.5 * th
        a1 = (sx1 - sx0) * (sy1 - sy0)
        a2 = (tx1 - tx0) * (ty1 - ty0)
        iw = jnp.maximum(jnp.minimum(sx1, tx1) - jnp.maximum(sx0, tx0), 0.0)
        ih = jnp.maximum(jnp.minimum(sy1, ty1) - jnp.maximum(sy0, ty0), 0.0)
        inter = iw * ih
        union = a1 + a2 - inter
        iou = inter / union
        ew = jnp.maximum(sx1, tx1) - jnp.minimum(sx0, tx0)
        eh = jnp.maximum(sy1, ty1) - jnp.minimum(sy0, ty0)
        ae = ew * eh
        giou = iou - (ae - union) / ae
        gia = gia + jnp.where(valid, 1.0 - giou, 0.0)

    obuf[0, :] = l1a
    obuf[1, :] = gia
    pltpu.sync_copy(obuf.at[0], out_hbm.at[0].at[wid])
    pltpu.sync_copy(obuf.at[1], out_hbm.at[1].at[wid])


def kernel(pred_logits, pred_boxes, tgt_boxes, src_idx, tgt_labels):
    B, Q, C = pred_logits.shape
    T = src_idx.shape[1]
    f32 = jnp.float32
    inv_nb = 1.0 / float(B * T)

    xt = jnp.transpose(pred_logits, (2, 0, 1))
    sit = jnp.transpose(src_idx, (1, 0))
    tlt = jnp.transpose(tgt_labels, (1, 0))

    ce = pl.pallas_call(
        functools.partial(_dense_body, inv_nb=inv_nb),
        grid=(B // _BB,),
        in_specs=[
            pl.BlockSpec((C, _BB, Q), lambda g: (0, g, 0)),
            pl.BlockSpec((T, B), lambda g: (0, 0)),
            pl.BlockSpec((T, B), lambda g: (0, 0)),
        ],
        out_specs=pl.BlockSpec((1, 1), lambda g: (0, 0)),
        out_shape=jax.ShapeDtypeStruct((1, 1), f32),
        scratch_shapes=[pltpu.VMEM((B, Q), jnp.int32)],
    )(xt, sit, tlt)

    per_w = (B * T) // 32
    pad = 16 * ((per_w + 15) // 16)
    mesh = plsc.VectorSubcoreMesh(core_axis_name="c", subcore_axis_name="s")
    pbt2 = jnp.transpose(pred_boxes.reshape(B * Q, 4), (1, 0)).reshape(-1)
    tbt2 = jnp.transpose(tgt_boxes.reshape(B * T, 4), (1, 0)).reshape(-1)
    box = pl.kernel(
        functools.partial(_sc_box_body, B=B, Q=Q, T=T),
        out_type=jax.ShapeDtypeStruct((2, 32, 16), f32),
        mesh=mesh,
        scratch_types=[
            pltpu.VMEM((pad,), jnp.int32),
            [pltpu.VMEM((pad,), jnp.int32) for _ in range(4)],
            [pltpu.VMEM((pad,), f32) for _ in range(4)],
            [pltpu.VMEM((pad,), f32) for _ in range(4)],
            pltpu.VMEM((2, 16), f32),
            pltpu.SemaphoreType.DMA,
        ],
    )(pbt2, tbt2, src_idx.reshape(B * T))

    l1 = jnp.sum(box[0]) * inv_nb
    gi = jnp.sum(box[1]) * inv_nb
    return (ce[0, 0], l1, gi)

# --- scband reference (transcript-rebuilt; emitter-appended) ---
"""Pipeline reference for scband-set-criterion-13743895347577 (READ-ONLY COPY).

The authoritative reference and input builder live on the scoring server;
editing this copy changes nothing except your own understanding.
"""

import jax, jax.numpy as jnp
import numpy as np

NUM_CLASSES = 91
FOCAL_ALPHA = 0.25
GAMMA = 2.0


def box_cxcywh_to_xyxy(b):
    cx, cy, w, h = b[:, 0], b[:, 1], b[:, 2], b[:, 3]
    return jnp.stack([cx - 0.5 * w, cy - 0.5 * h, cx + 0.5 * w, cy + 0.5 * h], axis=-1)


def box_area(b):
    return (b[:, 2] - b[:, 0]) * (b[:, 3] - b[:, 1])


def generalized_box_iou(boxes1, boxes2):
    area1 = box_area(boxes1)
    area2 = box_area(boxes2)
    lt = jnp.maximum(boxes1[:, None, :2], boxes2[None, :, :2])
    rb = jnp.minimum(boxes1[:, None, 2:], boxes2[None, :, 2:])
    wh = jnp.clip(rb - lt, 0.0)
    inter = wh[:, :, 0] * wh[:, :, 1]
    union = area1[:, None] + area2[None, :] - inter
    iou = inter / union
    lt_e = jnp.minimum(boxes1[:, None, :2], boxes2[None, :, :2])
    rb_e = jnp.maximum(boxes1[:, None, 2:], boxes2[None, :, 2:])
    wh_e = jnp.clip(rb_e - lt_e, 0.0)
    area_e = wh_e[:, :, 0] * wh_e[:, :, 1]
    return iou - (area_e - union) / area_e


def sigmoid_focal_loss(inputs, targets, num_boxes, alpha=FOCAL_ALPHA, gamma=GAMMA):
    prob = jax.nn.sigmoid(inputs)
    # numerically stable BCE with logits
    ce_loss = jnp.clip(inputs, 0.0) - inputs * targets + jnp.log1p(jnp.exp(-jnp.abs(inputs)))
    p_t = prob * targets + (1.0 - prob) * (1.0 - targets)
    loss = ce_loss * ((1.0 - p_t) ** gamma)
    if alpha >= 0:
        alpha_t = alpha * targets + (1.0 - alpha) * (1.0 - targets)
        loss = alpha_t * loss
    return loss.mean(axis=1).sum() / num_boxes


def setup_inputs(seed: int = 0):
    key = jax.random.key(seed)
    k1, k2, k3, k4, k5 = jax.random.split(key, 5)
    B, Q, C, T = 64, 300, NUM_CLASSES, 20
    pred_logits = jax.random.normal(k1, (B, Q, C), dtype=jnp.float32)
    pred_boxes = jax.random.uniform(k2, (B, Q, 4), dtype=jnp.float32)
    tgt_boxes = jax.random.uniform(k3, (B, T, 4), dtype=jnp.float32)
    src_idx = jax.random.randint(k4, (B, T), 0, Q, dtype=jnp.int32)
    tgt_labels = jax.random.randint(k5, (B, T), 0, C, dtype=jnp.int32)
    return {"pred_logits": pred_logits, "pred_boxes": pred_boxes, "tgt_boxes": tgt_boxes, "src_idx": src_idx, "tgt_labels": tgt_labels}


def reference(pred_logits, pred_boxes, tgt_boxes, src_idx, tgt_labels):
    B, Q, C = pred_logits.shape
    T = src_idx.shape[1]
    num_boxes = float(B * T)
    b_grid = jnp.arange(B)[:, None]
    # loss_labels: build target_classes with matched GT labels scattered at matched query slots
    target_classes = jnp.full((B, Q), C, dtype=jnp.int32)
    target_classes = target_classes.at[b_grid, src_idx].set(tgt_labels)
    target_classes_onehot = jax.nn.one_hot(target_classes, C + 1, dtype=pred_logits.dtype)[:, :, :-1]
    loss_ce = sigmoid_focal_loss(pred_logits, target_classes_onehot, num_boxes) * Q
    # loss_boxes: gather matched predicted boxes
    src_boxes = jnp.take_along_axis(pred_boxes, src_idx[:, :, None], axis=1).reshape(-1, 4)
    target_boxes = tgt_boxes.reshape(-1, 4)
    loss_bbox = jnp.abs(src_boxes - target_boxes).sum() / num_boxes
    giou = generalized_box_iou(box_cxcywh_to_xyxy(src_boxes), box_cxcywh_to_xyxy(target_boxes))
    loss_giou = (1.0 - jnp.diag(giou)).sum() / num_boxes
    return (loss_ce, loss_bbox, loss_giou)

if __name__ == "__main__":
    import jax
    _d = setup_inputs()
    print(jax.jit(kernel)(*tuple(_d.values())))

</pallas_src>

<mosaic_0001>
#map = affine_map<(d0, d1) -> (0)>
#map1 = affine_map<(d0, d1) -> (0, 0, 0)>
module attributes {stable_mosaic.version = 14 : i64} {
  func.func @_sc_box_body(%arg0: i32, %arg1: i32, %arg2: memref<76800xf32, #tpu.memory_space<hbm>>, %arg3: memref<5120xf32, #tpu.memory_space<hbm>>, %arg4: memref<1280xi32, #tpu.memory_space<hbm>>, %arg5: memref<2x32x16xf32, #tpu.memory_space<hbm>>, %arg6: memref<48xi32, #tpu.memory_space<vmem>>, %arg7: memref<48xi32, #tpu.memory_space<vmem>>, %arg8: memref<48xi32, #tpu.memory_space<vmem>>, %arg9: memref<48xi32, #tpu.memory_space<vmem>>, %arg10: memref<48xi32, #tpu.memory_space<vmem>>, %arg11: memref<48xf32, #tpu.memory_space<vmem>>, %arg12: memref<48xf32, #tpu.memory_space<vmem>>, %arg13: memref<48xf32, #tpu.memory_space<vmem>>, %arg14: memref<48xf32, #tpu.memory_space<vmem>>, %arg15: memref<48xf32, #tpu.memory_space<vmem>>, %arg16: memref<48xf32, #tpu.memory_space<vmem>>, %arg17: memref<48xf32, #tpu.memory_space<vmem>>, %arg18: memref<48xf32, #tpu.memory_space<vmem>>, %arg19: memref<2x16xf32, #tpu.memory_space<vmem>>, %arg20: memref<!tpu.dma_semaphore, #tpu.memory_space<semaphore_mem>>) attributes {dimension_semantics = [#tpu.dimension_semantics<core_parallel>, #tpu.dimension_semantics<subcore_parallel>], iteration_bounds = array<i64: 2, 16>, scalar_prefetch = 0 : i64, scratch_operands = 15 : i64, tpu.core_type = #tpu.core_type<sc_vector_subcore>, window_params = [{transform_indices = #map}, {transform_indices = #map}, {transform_indices = #map}, {transform_indices = #map1}]} {
    %mul3A = arith.constant 2 : i32
    %mul3A_0 = arith.muli %arg1, %mul3A : i32
    %add3A = arith.addi %mul3A_0, %arg0 : i32
    %mul3A_1 = arith.constant 40 : i32
    %mul3A_2 = arith.muli %add3A, %mul3A_1 : i32
    "tpu.region"() ({
      %run_scoped3A_575 = tpu.sem_alloc : memref<!tpu.dma_semaphore, #tpu.memory_space<semaphore_mem>>
      %dma_start3A_576 = arith.constant 0 : i32
      %dma_start3A_577 = tpu.memref_slice %arg6[%dma_start3A_576] : memref<48xi32, #tpu.memory_space<vmem>> -> memref<40xi32, #tpu.memory_space<vmem>>
      %dma_start3A_578 = tpu.memref_slice %arg4[%mul3A_2] : memref<1280xi32, #tpu.memory_space<hbm>> -> memref<40xi32, #tpu.memory_space<hbm>>
      %dma_start3A_579 = arith.constant 0 : i32
      %dma_start3A_580 = tpu.memref_slice %arg6[%dma_start3A_579] : memref<48xi32, #tpu.memory_space<vmem>> -> memref<40xi32, #tpu.memory_space<vmem>>
      %dma_start3A_581 = tpu.memref_slice %arg4[%mul3A_2] : memref<1280xi32, #tpu.memory_space<hbm>> -> memref<40xi32, #tpu.memory_space<hbm>>
      tpu.enqueue_dma source(%dma_start3A_581 : memref<40xi32, #tpu.memory_space<hbm>>) target(%dma_start3A_580 : memref<40xi32, #tpu.memory_space<vmem>>) target_semaphore(%run_scoped3A_575 : memref<!tpu.dma_semaphore, #tpu.memory_space<semaphore_mem>>)
      %dma_wait3A_582 = arith.constant 0 : i32
      %dma_wait3A_583 = tpu.memref_slice %arg6[%dma_wait3A_582] : memref<48xi32, #tpu.memory_space<vmem>> -> memref<40xi32, #tpu.memory_space<vmem>>
      %dma_wait3A_584 = tpu.memref_slice %arg4[%mul3A_2] : memref<1280xi32, #tpu.memory_space<hbm>> -> memref<40xi32, #tpu.memory_space<hbm>>
      %dma_wait3A_585 = arith.constant 0 : i32
      %dma_wait3A_586 = tpu.memref_slice %arg6[%dma_wait3A_585] : memref<48xi32, #tpu.memory_space<vmem>> -> memref<40xi32, #tpu.memory_space<vmem>>
      %dma_wait3A_587 = tpu.memref_slice %arg4[%mul3A_2] : memref<1280xi32, #tpu.memory_space<hbm>> -> memref<40xi32, #tpu.memory_space<hbm>>
      tpu.wait_dma2 semaphore(%run_scoped3A_575 : memref<!tpu.dma_semaphore, #tpu.memory_space<semaphore_mem>>) src(%dma_wait3A_587 : memref<40xi32, #tpu.memory_space<hbm>>) dst(%dma_wait3A_586 : memref<40xi32, #tpu.memory_space<vmem>>)
      tpu.yield
    }) : () -> ()
    %add3A_3 = arith.constant 0 : i32
    %add3A_4 = arith.addi %add3A_3, %mul3A_2 : i32
    "tpu.region"() ({
      %run_scoped3A_575 = tpu.sem_alloc : memref<!tpu.dma_semaphore, #tpu.memory_space<semaphore_mem>>
      %dma_start3A_576 = arith.constant 0 : i32
      %dma_start3A_577 = tpu.memref_slice %arg15[%dma_start3A_576] : memref<48xf32, #tpu.memory_space<vmem>> -> memref<40xf32, #tpu.memory_space<vmem>>
      %dma_start3A_578 = tpu.memref_slice %arg3[%add3A_4] : memref<5120xf32, #tpu.memory_space<hbm>> -> memref<40xf32, #tpu.memory_space<hbm>>
      %dma_start3A_579 = arith.constant 0 : i32
      %dma_start3A_580 = tpu.memref_slice %arg15[%dma_start3A_579] : memref<48xf32, #tpu.memory_space<vmem>> -> memref<40xf32, #tpu.memory_space<vmem>>
      %dma_start3A_581 = tpu.memref_slice %arg3[%add3A_4] : memref<5120xf32, #tpu.memory_space<hbm>> -> memref<40xf32, #tpu.memory_space<hbm>>
      tpu.enqueue_dma source(%dma_start3A_581 : memref<40xf32, #tpu.memory_space<hbm>>) target(%dma_start3A_580 : memref<40xf32, #tpu.memory_space<vmem>>) target_semaphore(%run_scoped3A_575 : memref<!tpu.dma_semaphore, #tpu.memory_space<semaphore_mem>>)
      %dma_wait3A_582 = arith.constant 0 : i32
      %dma_wait3A_583 = tpu.memref_slice %arg15[%dma_wait3A_582] : memref<48xf32, #tpu.memory_space<vmem>> -> memref<40xf32, #tpu.memory_space<vmem>>
      %dma_wait3A_584 = tpu.memref_slice %arg3[%add3A_4] : memref<5120xf32, #tpu.memory_space<hbm>> -> memref<40xf32, #tpu.memory_space<hbm>>
      %dma_wait3A_585 = arith.constant 0 : i32
      %dma_wait3A_586 = tpu.memref_slice %arg15[%dma_wait3A_585] : memref<48xf32, #tpu.memory_space<vmem>> -> memref<40xf32, #tpu.memory_space<vmem>>
      %dma_wait3A_587 = tpu.memref_slice %arg3[%add3A_4] : memref<5120xf32, #tpu.memory_space<hbm>> -> memref<40xf32, #tpu.memory_space<hbm>>
      tpu.wait_dma2 semaphore(%run_scoped3A_575 : memref<!tpu.dma_semaphore, #tpu.memory_space<semaphore_mem>>) src(%dma_wait3A_587 : memref<40xf32, #tpu.memory_space<hbm>>) dst(%dma_wait3A_586 : memref<40xf32, #tpu.memory_space<vmem>>)
      tpu.yield
    }) : () -> ()
    %add3A_5 = arith.constant 1280 : i32
    %add3A_6 = arith.addi %add3A_5, %mul3A_2 : i32
    "tpu.region"() ({
      %run_scoped3A_575 = tpu.sem_alloc : memref<!tpu.dma_semaphore, #tpu.memory_space<semaphore_mem>>
      %dma_start3A_576 = arith.constant 0 : i32
      %dma_start3A_577 = tpu.memref_slice %arg16[%dma_start3A_576] : memref<48xf32, #tpu.memory_space<vmem>> -> memref<40xf32, #tpu.memory_space<vmem>>
      %dma_start3A_578 = tpu.memref_slice %arg3[%add3A_6] : memref<5120xf32, #tpu.memory_space<hbm>> -> memref<40xf32, #tpu.memory_space<hbm>>
      %dma_start3A_579 = arith.constant 0 : i32
      %dma_start3A_580 = tpu.memref_slice %arg16[%dma_start3A_579] : memref<48xf32, #tpu.memory_space<vmem>> -> memref<40xf32, #tpu.memory_space<vmem>>
      %dma_start3A_581 = tpu.memref_slice %arg3[%add3A_6] : memref<5120xf32, #tpu.memory_space<hbm>> -> memref<40xf32, #tpu.memory_space<hbm>>
      tpu.enqueue_dma source(%dma_start3A_581 : memref<40xf32, #tpu.memory_space<hbm>>) target(%dma_start3A_580 : memref<40xf32, #tpu.memory_space<vmem>>) target_semaphore(%run_scoped3A_575 : memref<!tpu.dma_semaphore, #tpu.memory_space<semaphore_mem>>)
      %dma_wait3A_582 = arith.constant 0 : i32
      %dma_wait3A_583 = tpu.memref_slice %arg16[%dma_wait3A_582] : memref<48xf32, #tpu.memory_space<vmem>> -> memref<40xf32, #tpu.memory_space<vmem>>
      %dma_wait3A_584 = tpu.memref_slice %arg3[%add3A_6] : memref<5120xf32, #tpu.memory_space<hbm>> -> memref<40xf32, #tpu.memory_space<hbm>>
      %dma_wait3A_585 = arith.constant 0 : i32
      %dma_wait3A_586 = tpu.memref_slice %arg16[%dma_wait3A_585] : memref<48xf32, #tpu.memory_space<vmem>> -> memref<40xf32, #tpu.memory_space<vmem>>
      %dma_wait3A_587 = tpu.memref_slice %arg3[%add3A_6] : memref<5120xf32, #tpu.memory_space<hbm>> -> memref<40xf32, #tpu.memory_space<hbm>>
      tpu.wait_dma2 semaphore(%run_scoped3A_575 : memref<!tpu.dma_semaphore, #tpu.memory_space<semaphore_mem>>) src(%dma_wait3A_587 : memref<40xf32, #tpu.memory_space<hbm>>) dst(%dma_wait3A_586 : memref<40xf32, #tpu.memory_space<vmem>>)
      tpu.yield
    }) : () -> ()
    %add3A_7 = arith.constant 2560 : i32
    %add3A_8 = arith.addi %add3A_7, %mul3A_2 : i32
    "tpu.region"() ({
      %run_scoped3A_575 = tpu.sem_alloc : memref<!tpu.dma_semaphore, #tpu.memory_space<semaphore_mem>>
      %dma_start3A_576 = arith.constant 0 : i32
      %dma_start3A_577 = tpu.memref_slice %arg17[%dma_start3A_576] : memref<48xf32, #tpu.memory_space<vmem>> -> memref<40xf32, #tpu.memory_space<vmem>>
      %dma_start3A_578 = tpu.memref_slice %arg3[%add3A_8] : memref<5120xf32, #tpu.memory_space<hbm>> -> memref<40xf32, #tpu.memory_space<hbm>>
      %dma_start3A_579 = arith.constant 0 : i32
      %dma_start3A_580 = tpu.memref_slice %arg17[%dma_start3A_579] : memref<48xf32, #tpu.memory_space<vmem>> -> memref<40xf32, #tpu.memory_space<vmem>>
      %dma_start3A_581 = tpu.memref_slice %arg3[%add3A_8] : memref<5120xf32, #tpu.memory_space<hbm>> -> memref<40xf32, #tpu.memory_space<hbm>>
      tpu.enqueue_dma source(%dma_start3A_581 : memref<40xf32, #tpu.memory_space<hbm>>) target(%dma_start3A_580 : memref<40xf32, #tpu.memory_space<vmem>>) target_semaphore(%run_scoped3A_575 : memref<!tpu.dma_semaphore, #tpu.memory_space<semaphore_mem>>)
      %dma_wait3A_582 = arith.constant 0 : i32
      %dma_wait3A_583 = tpu.memref_slice %arg17[%dma_wait3A_582] : memref<48xf32, #tpu.memory_space<vmem>> -> memref<40xf32, #tpu.memory_space<vmem>>
      %dma_wait3A_584 = tpu.memref_slice %arg3[%add3A_8] : memref<5120xf32, #tpu.memory_space<hbm>> -> memref<40xf32, #tpu.memory_space<hbm>>
      %dma_wait3A_585 = arith.constant 0 : i32
      %dma_wait3A_586 = tpu.memref_slice %arg17[%dma_wait3A_585] : memref<48xf32, #tpu.memory_space<vmem>> -> memref<40xf32, #tpu.memory_space<vmem>>
      %dma_wait3A_587 = tpu.memref_slice %arg3[%add3A_8] : memref<5120xf32, #tpu.memory_space<hbm>> -> memref<40xf32, #tpu.memory_space<hbm>>
      tpu.wait_dma2 semaphore(%run_scoped3A_575 : memref<!tpu.dma_semaphore, #tpu.memory_space<semaphore_mem>>) src(%dma_wait3A_587 : memref<40xf32, #tpu.memory_space<hbm>>) dst(%dma_wait3A_586 : memref<40xf32, #tpu.memory_space<vmem>>)
      tpu.yield
    }) : () -> ()
    %add3A_9 = arith.constant 3840 : i32
    %add3A_10 = arith.addi %add3A_9, %mul3A_2 : i32
    "tpu.region"() ({
      %run_scoped3A_575 = tpu.sem_alloc : memref<!tpu.dma_semaphore, #tpu.memory_space<semaphore_mem>>
      %dma_start3A_576 = arith.constant 0 : i32
      %dma_start3A_577 = tpu.memref_slice %arg18[%dma_start3A_576] : memref<48xf32, #tpu.memory_space<vmem>> -> memref<40xf32, #tpu.memory_space<vmem>>
      %dma_start3A_578 = tpu.memref_slice %arg3[%add3A_10] : memref<5120xf32, #tpu.memory_space<hbm>> -> memref<40xf32, #tpu.memory_space<hbm>>
      %dma_start3A_579 = arith.constant 0 : i32
      %dma_start3A_580 = tpu.memref_slice %arg18[%dma_start3A_579] : memref<48xf32, #tpu.memory_space<vmem>> -> memref<40xf32, #tpu.memory_space<vmem>>
      %dma_start3A_581 = tpu.memref_slice %arg3[%add3A_10] : memref<5120xf32, #tpu.memory_space<hbm>> -> memref<40xf32, #tpu.memory_space<hbm>>
      tpu.enqueue_dma source(%dma_start3A_581 : memref<40xf32, #tpu.memory_space<hbm>>) target(%dma_start3A_580 : memref<40xf32, #tpu.memory_space<vmem>>) target_semaphore(%run_scoped3A_575 : memref<!tpu.dma_semaphore, #tpu.memory_space<semaphore_mem>>)
      %dma_wait3A_582 = arith.constant 0 : i32
      %dma_wait3A_583 = tpu.memref_slice %arg18[%dma_wait3A_582] : memref<48xf32, #tpu.memory_space<vmem>> -> memref<40xf32, #tpu.memory_space<vmem>>
      %dma_wait3A_584 = tpu.memref_slice %arg3[%add3A_10] : memref<5120xf32, #tpu.memory_space<hbm>> -> memref<40xf32, #tpu.memory_space<hbm>>
      %dma_wait3A_585 = arith.constant 0 : i32
      %dma_wait3A_586 = tpu.memref_slice %arg18[%dma_wait3A_585] : memref<48xf32, #tpu.memory_space<vmem>> -> memref<40xf32, #tpu.memory_space<vmem>>
      %dma_wait3A_587 = tpu.memref_slice %arg3[%add3A_10] : memref<5120xf32, #tpu.memory_space<hbm>> -> memref<40xf32, #tpu.memory_space<hbm>>
      tpu.wait_dma2 semaphore(%run_scoped3A_575 : memref<!tpu.dma_semaphore, #tpu.memory_space<semaphore_mem>>) src(%dma_wait3A_587 : memref<40xf32, #tpu.memory_space<hbm>>) dst(%dma_wait3A_586 : memref<40xf32, #tpu.memory_space<vmem>>)
      tpu.yield
    }) : () -> ()
    %iota3A = tpu.iota {dimensions = array<i32: 0>} : vector<16xi32>
    %add3A_11 = arith.constant 0 : i32
    %add3A_12 = vector.broadcast %add3A_11 : i32 to vector<16xi32>
    %add3A_13 = arith.addi %iota3A, %add3A_12 : vector<16xi32>
    %lt3A = arith.constant 40 : i32
    %lt3A_14 = vector.broadcast %lt3A : i32 to vector<16xi32>
    %lt3A_15 = arith.cmpi slt, %add3A_13, %lt3A_14 : vector<16xi32>
    %mul3A_16 = arith.constant 2 : i32
    %mul3A_17 = arith.muli %add3A, %mul3A_16 : i32
    %broadcast_in_dim3A = vector.broadcast %mul3A_17 : i32 to vector<16xi32>
    %ge3A = arith.constant 20 : i32
    %ge3A_18 = vector.broadcast %ge3A : i32 to vector<16xi32>
    %ge3A_19 = arith.cmpi sge, %add3A_13, %ge3A_18 : vector<16xi32>
    %broadcast_in_dim3A_20 = arith.constant 1 : i32
    %broadcast_in_dim3A_21 = vector.broadcast %broadcast_in_dim3A_20 : i32 to vector<16xi32>
    %broadcast_in_dim3A_22 = arith.constant 0 : i32
    %broadcast_in_dim3A_23 = vector.broadcast %broadcast_in_dim3A_22 : i32 to vector<16xi32>
    %select_n3A = arith.select %ge3A_19, %broadcast_in_dim3A_21, %broadcast_in_dim3A_23 : vector<16xi1>, vector<16xi32>
    %add3A_24 = arith.addi %broadcast_in_dim3A, %select_n3A : vector<16xi32>
    %ge3A_25 = arith.constant 40 : i32
    %ge3A_26 = vector.broadcast %ge3A_25 : i32 to vector<16xi32>
    %ge3A_27 = arith.cmpi sge, %add3A_13, %ge3A_26 : vector<16xi32>
    %broadcast_in_dim3A_28 = arith.constant 1 : i32
    %broadcast_in_dim3A_29 = vector.broadcast %broadcast_in_dim3A_28 : i32 to vector<16xi32>
    %broadcast_in_dim3A_30 = arith.constant 0 : i32
    %broadcast_in_dim3A_31 = vector.broadcast %broadcast_in_dim3A_30 : i32 to vector<16xi32>
    %select_n3A_32 = arith.select %ge3A_27, %broadcast_in_dim3A_29, %broadcast_in_dim3A_31 : vector<16xi1>, vector<16xi32>
    %add3A_33 = arith.addi %add3A_24, %select_n3A_32 : vector<16xi32>
    %get3A = arith.constant 0 : index
    %get3A_34 = tpu.vector_load %arg6[%get3A] {strides = array<i32>} : memref<48xi32, #tpu.memory_space<vmem>>, vector<16xi32>,
    %get3A_35 = vector.shape_cast %get3A_34 : vector<16xi32> to vector<16xi32>
    %mul3A_36 = arith.constant 300 : i32
    %mul3A_37 = vector.broadcast %mul3A_36 : i32 to vector<16xi32>
    %mul3A_38 = arith.muli %add3A_33, %mul3A_37 : vector<16xi32>
    %add3A_39 = arith.addi %mul3A_38, %get3A_35 : vector<16xi32>
    %jit3A = arith.constant 0 : i32
    %broadcast_in_dim3A_40 = vector.broadcast %jit3A : i32 to vector<16xi32>
    %select_n3A_41 = arith.select %lt3A_15, %add3A_39, %broadcast_in_dim3A_40 : vector<16xi1>, vector<16xi32>
    %add3A_42 = arith.constant 0 : i32
    %add3A_43 = vector.broadcast %add3A_42 : i32 to vector<16xi32>
    %add3A_44 = arith.addi %select_n3A_41, %add3A_43 : vector<16xi32>
    %swap3A = arith.constant 0 : index
    %swap3A_45 = tpu.vector_load %arg7[%swap3A] {strides = array<i32>} : memref<48xi32, #tpu.memory_space<vmem>>, vector<16xi32>,
    %swap3A_46 = vector.shape_cast %swap3A_45 : vector<16xi32> to vector<16xi32>
    %swap3A_47 = vector.shape_cast %add3A_44 : vector<16xi32> to vector<16xi32>
    tpu.vector_store %arg7[%swap3A], %swap3A_47 {strides = array<i32>} : memref<48xi32, #tpu.memory_space<vmem>>, vector<16xi32>,
    %add3A_48 = arith.constant 19200 : i32
    %add3A_49 = vector.broadcast %add3A_48 : i32 to vector<16xi32>
    %add3A_50 = arith.addi %select_n3A_41, %add3A_49 : vector<16xi32>
    %swap3A_51 = arith.constant 0 : index
    %swap3A_52 = tpu.vector_load %arg8[%swap3A_51] {strides = array<i32>} : memref<48xi32, #tpu.memory_space<vmem>>, vector<16xi32>,
    %swap3A_53 = vector.shape_cast %swap3A_52 : vector<16xi32> to vector<16xi32>
    %swap3A_54 = vector.shape_cast %add3A_50 : vector<16xi32> to vector<16xi32>
    tpu.vector_store %arg8[%swap3A_51], %swap3A_54 {strides = array<i32>} : memref<48xi32, #tpu.memory_space<vmem>>, vector<16xi32>,
    %add3A_55 = arith.constant 38400 : i32
    %add3A_56 = vector.broadcast %add3A_55 : i32 to vector<16xi32>
    %add3A_57 = arith.addi %select_n3A_41, %add3A_56 : vector<16xi32>
    %swap3A_58 = arith.constant 0 : index
    %swap3A_59 = tpu.vector_load %arg9[%swap3A_58] {strides = array<i32>} : memref<48xi32, #tpu.memory_space<vmem>>, vector<16xi32>,
    %swap3A_60 = vector.shape_cast %swap3A_59 : vector<16xi32> to vector<16xi32>
    %swap3A_61 = vector.shape_cast %add3A_57 : vector<16xi32> to vector<16xi32>
    tpu.vector_store %arg9[%swap3A_58], %swap3A_61 {strides = array<i32>} : memref<48xi32, #tpu.memory_space<vmem>>, vector<16xi32>,
    %add3A_62 = arith.constant 57600 : i32
    %add3A_63 = vector.broadcast %add3A_62 : i32 to vector<16xi32>
    %add3A_64 = arith.addi %select_n3A_41, %add3A_63 : vector<16xi32>
    %swap3A_65 = arith.constant 0 : index
    %swap3A_66 = tpu.vector_load %arg10[%swap3A_65] {strides = array<i32>} : memref<48xi32, #tpu.memory_space<vmem>>, vector<16xi32>,
    %swap3A_67 = vector.shape_cast %swap3A_66 : vector<16xi32> to vector<16xi32>
    %swap3A_68 = vector.shape_cast %add3A_64 : vector<16xi32> to vector<16xi32>
    tpu.vector_store %arg10[%swap3A_65], %swap3A_68 {strides = array<i32>} : memref<48xi32, #tpu.memory_space<vmem>>, vector<16xi32>,
    %add3A_69 = arith.constant 16 : i32
    %add3A_70 = vector.broadcast %add3A_69 : i32 to vector<16xi32>
    %add3A_71 = arith.addi %iota3A, %add3A_70 : vector<16xi32>
    %lt3A_72 = arith.constant 40 : i32
    %lt3A_73 = vector.broadcast %lt3A_72 : i32 to vector<16xi32>
    %lt3A_74 = arith.cmpi slt, %add3A_71, %lt3A_73 : vector<16xi32>
    %mul3A_75 = arith.constant 2 : i32
    %mul3A_76 = arith.muli %add3A, %mul3A_75 : i32
    %broadcast_in_dim3A_77 = vector.broadcast %mul3A_76 : i32 to vector<16xi32>
    %ge3A_78 = arith.constant 20 : i32
    %ge3A_79 = vector.broadcast %ge3A_78 : i32 to vector<16xi32>
    %ge3A_80 = arith.cmpi sge, %add3A_71, %ge3A_79 : vector<16xi32>
    %broadcast_in_dim3A_81 = arith.constant 1 : i32
    %broadcast_in_dim3A_82 = vector.broadcast %broadcast_in_dim3A_81 : i32 to vector<16xi32>
    %broadcast_in_dim3A_83 = arith.constant 0 : i32
    %broadcast_in_dim3A_84 = vector.broadcast %broadcast_in_dim3A_83 : i32 to vector<16xi32>
    %select_n3A_85 = arith.select %ge3A_80, %broadcast_in_dim3A_82, %broadcast_in_dim3A_84 : vector<16xi1>, vector<16xi32>
    %add3A_86 = arith.addi %broadcast_in_dim3A_77, %select_n3A_85 : vector<16xi32>
    %ge3A_87 = arith.constant 40 : i32
    %ge3A_88 = vector.broadcast %ge3A_87 : i32 to vector<16xi32>
    %ge3A_89 = arith.cmpi sge, %add3A_71, %ge3A_88 : vector<16xi32>
    %broadcast_in_dim3A_90 = arith.constant 1 : i32
    %broadcast_in_dim3A_91 = vector.broadcast %broadcast_in_dim3A_90 : i32 to vector<16xi32>
    %broadcast_in_dim3A_92 = arith.constant 0 : i32
    %broadcast_in_dim3A_93 = vector.broadcast %broadcast_in_dim3A_92 : i32 to vector<16xi32>
    %select_n3A_94 = arith.select %ge3A_89, %broadcast_in_dim3A_91, %broadcast_in_dim3A_93 : vector<16xi1>, vector<16xi32>
    %add3A_95 = arith.addi %add3A_86, %select_n3A_94 : vector<16xi32>
    %get3A_96 = arith.constant 16 : index
    %get3A_97 = tpu.vector_load %arg6[%get3A_96] {strides = array<i32>} : memref<48xi32, #tpu.memory_space<vmem>>, vector<16xi32>,
    %get3A_98 = vector.shape_cast %get3A_97 : vector<16xi32> to vector<16xi32>
    %mul3A_99 = arith.constant 300 : i32
    %mul3A_100 = vector.broadcast %mul3A_99 : i32 to vector<16xi32>
    %mul3A_101 = arith.muli %add3A_95, %mul3A_100 : vector<16xi32>
    %add3A_102 = arith.addi %mul3A_101, %get3A_98 : vector<16xi32>
    %jit3A_103 = arith.constant 0 : i32
    %broadcast_in_dim3A_104 = vector.broadcast %jit3A_103 : i32 to vector<16xi32>
    %select_n3A_105 = arith.select %lt3A_74, %add3A_102, %broadcast_in_dim3A_104 : vector<16xi1>, vector<16xi32>
    %add3A_106 = arith.constant 0 : i32
    %add3A_107 = vector.broadcast %add3A_106 : i32 to vector<16xi32>
    %add3A_108 = arith.addi %select_n3A_105, %add3A_107 : vector<16xi32>
    %swap3A_109 = arith.constant 16 : index
    %swap3A_110 = tpu.vector_load %arg7[%swap3A_109] {strides = array<i32>} : memref<48xi32, #tpu.memory_space<vmem>>, vector<16xi32>,
    %swap3A_111 = vector.shape_cast %swap3A_110 : vector<16xi32> to vector<16xi32>
    %swap3A_112 = vector.shape_cast %add3A_108 : vector<16xi32> to vector<16xi32>
    tpu.vector_store %arg7[%swap3A_109], %swap3A_112 {strides = array<i32>} : memref<48xi32, #tpu.memory_space<vmem>>, vector<16xi32>,
    %add3A_113 = arith.constant 19200 : i32
    %add3A_114 = vector.broadcast %add3A_113 : i32 to vector<16xi32>
    %add3A_115 = arith.addi %select_n3A_105, %add3A_114 : vector<16xi32>
    %swap3A_116 = arith.constant 16 : index
    %swap3A_117 = tpu.vector_load %arg8[%swap3A_116] {strides = array<i32>} : memref<48xi32, #tpu.memory_space<vmem>>, vector<16xi32>,
    %swap3A_118 = vector.shape_cast %swap3A_117 : vector<16xi32> to vector<16xi32>
    %swap3A_119 = vector.shape_cast %add3A_115 : vector<16xi32> to vector<16xi32>
    tpu.vector_store %arg8[%swap3A_116], %swap3A_119 {strides = array<i32>} : memref<48xi32, #tpu.memory_space<vmem>>, vector<16xi32>,
    %add3A_120 = arith.constant 38400 : i32
    %add3A_121 = vector.broadcast %add3A_120 : i32 to vector<16xi32>
    %add3A_122 = arith.addi %select_n3A_105, %add3A_121 : vector<16xi32>
    %swap3A_123 = arith.constant 16 : index
    %swap3A_124 = tpu.vector_load %arg9[%swap3A_123] {strides = array<i32>} : memref<48xi32, #tpu.memory_space<vmem>>, vector<16xi32>,
    %swap3A_125 = vector.shape_cast %swap3A_124 : vector<16xi32> to vector<16xi32>
    %swap3A_126 = vector.shape_cast %add3A_122 : vector<16xi32> to vector<16xi32>
    tpu.vector_store %arg9[%swap3A_123], %swap3A_126 {strides = array<i32>} : memref<48xi32, #tpu.memory_space<vmem>>, vector<16xi32>,
    %add3A_127 = arith.constant 57600 : i32
    %add3A_128 = vector.broadcast %add3A_127 : i32 to vector<16xi32>
    %add3A_129 = arith.addi %select_n3A_105, %add3A_128 : vector<16xi32>
    %swap3A_130 = arith.constant 16 : index
    %swap3A_131 = tpu.vector_load %arg10[%swap3A_130] {strides = array<i32>} : memref<48xi32, #tpu.memory_space<vmem>>, vector<16xi32>,
    %swap3A_132 = vector.shape_cast %swap3A_131 : vector<16xi32> to vector<16xi32>
    %swap3A_133 = vector.shape_cast %add3A_129 : vector<16xi32> to vector<16xi32>
    tpu.vector_store %arg10[%swap3A_130], %swap3A_133 {strides = array<i32>} : memref<48xi32, #tpu.memory_space<vmem>>, vector<16xi32>,
    %add3A_134 = arith.constant 32 : i32
    %add3A_135 = vector.broadcast %add3A_134 : i32 to vector<16xi32>
    %add3A_136 = arith.addi %iota3A, %add3A_135 : vector<16xi32>
    %lt3A_137 = arith.constant 40 : i32
    %lt3A_138 = vector.broadcast %lt3A_137 : i32 to vector<16xi32>
    %lt3A_139 = arith.cmpi slt, %add3A_136, %lt3A_138 : vector<16xi32>
    %mul3A_140 = arith.constant 2 : i32
    %mul3A_141 = arith.muli %add3A, %mul3A_140 : i32
    %broadcast_in_dim3A_142 = vector.broadcast %mul3A_141 : i32 to vector<16xi32>
    %ge3A_143 = arith.constant 20 : i32
    %ge3A_144 = vector.broadcast %ge3A_143 : i32 to vector<16xi32>
    %ge3A_145 = arith.cmpi sge, %add3A_136, %ge3A_144 : vector<16xi32>
    %broadcast_in_dim3A_146 = arith.constant 1 : i32
    %broadcast_in_dim3A_147 = vector.broadcast %broadcast_in_dim3A_146 : i32 to vector<16xi32>
    %broadcast_in_dim3A_148 = arith.constant 0 : i32
    %broadcast_in_dim3A_149 = vector.broadcast %broadcast_in_dim3A_148 : i32 to vector<16xi32>
    %select_n3A_150 = arith.select %ge3A_145, %broadcast_in_dim3A_147, %broadcast_in_dim3A_149 : vector<16xi1>, vector<16xi32>
    %add3A_151 = arith.addi %broadcast_in_dim3A_142, %select_n3A_150 : vector<16xi32>
    %ge3A_152 = arith.constant 40 : i32
    %ge3A_153 = vector.broadcast %ge3A_152 : i32 to vector<16xi32>
    %ge3A_154 = arith.cmpi sge, %add3A_136, %ge3A_153 : vector<16xi32>
    %broadcast_in_dim3A_155 = arith.constant 1 : i32
    %broadcast_in_dim3A_156 = vector.broadcast %broadcast_in_dim3A_155 : i32 to vector<16xi32>
    %broadcast_in_dim3A_157 = arith.constant 0 : i32
    %broadcast_in_dim3A_158 = vector.broadcast %broadcast_in_dim3A_157 : i32 to vector<16xi32>
    %select_n3A_159 = arith.select %ge3A_154, %broadcast_in_dim3A_156, %broadcast_in_dim3A_158 : vector<16xi1>, vector<16xi32>
    %add3A_160 = arith.addi %add3A_151, %select_n3A_159 : vector<16xi32>
    %get3A_161 = arith.constant 32 : index
    %get3A_162 = tpu.vector_load %arg6[%get3A_161] {strides = array<i32>} : memref<48xi32, #tpu.memory_space<vmem>>, vector<16xi32>,
    %get3A_163 = vector.shape_cast %get3A_162 : vector<16xi32> to vector<16xi32>
    %mul3A_164 = arith.constant 300 : i32
    %mul3A_165 = vector.broadcast %mul3A_164 : i32 to vector<16xi32>
    %mul3A_166 = arith.muli %add3A_160, %mul3A_165 : vector<16xi32>
    %add3A_167 = arith.addi %mul3A_166, %get3A_163 : vector<16xi32>
    %jit3A_168 = arith.constant 0 : i32
    %broadcast_in_dim3A_169 = vector.broadcast %jit3A_168 : i32 to vector<16xi32>
    %select_n3A_170 = arith.select %lt3A_139, %add3A_167, %broadcast_in_dim3A_169 : vector<16xi1>, vector<16xi32>
    %add3A_171 = arith.constant 0 : i32
    %add3A_172 = vector.broadcast %add3A_171 : i32 to vector<16xi32>
    %add3A_173 = arith.addi %select_n3A_170, %add3A_172 : vector<16xi32>
    %swap3A_174 = arith.constant 32 : index
    %swap3A_175 = tpu.vector_load %arg7[%swap3A_174] {strides = array<i32>} : memref<48xi32, #tpu.memory_space<vmem>>, vector<16xi32>,
    %swap3A_176 = vector.shape_cast %swap3A_175 : vector<16xi32> to vector<16xi32>
    %swap3A_177 = vector.shape_cast %add3A_173 : vector<16xi32> to vector<16xi32>
    tpu.vector_store %arg7[%swap3A_174], %swap3A_177 {strides = array<i32>} : memref<48xi32, #tpu.memory_space<vmem>>, vector<16xi32>,
    %add3A_178 = arith.constant 19200 : i32
    %add3A_179 = vector.broadcast %add3A_178 : i32 to vector<16xi32>
    %add3A_180 = arith.addi %select_n3A_170, %add3A_179 : vector<16xi32>
    %swap3A_181 = arith.constant 32 : index
    %swap3A_182 = tpu.vector_load %arg8[%swap3A_181] {strides = array<i32>} : memref<48xi32, #tpu.memory_space<vmem>>, vector<16xi32>,
    %swap3A_183 = vector.shape_cast %swap3A_182 : vector<16xi32> to vector<16xi32>
    %swap3A_184 = vector.shape_cast %add3A_180 : vector<16xi32> to vector<16xi32>
    tpu.vector_store %arg8[%swap3A_181], %swap3A_184 {strides = array<i32>} : memref<48xi32, #tpu.memory_space<vmem>>, vector<16xi32>,
    %add3A_185 = arith.constant 38400 : i32
    %add3A_186 = vector.broadcast %add3A_185 : i32 to vector<16xi32>
    %add3A_187 = arith.addi %select_n3A_170, %add3A_186 : vector<16xi32>
    %swap3A_188 = arith.constant 32 : index
    %swap3A_189 = tpu.vector_load %arg9[%swap3A_188] {strides = array<i32>} : memref<48xi32, #tpu.memory_space<vmem>>, vector<16xi32>,
    %swap3A_190 = vector.shape_cast %swap3A_189 : vector<16xi32> to vector<16xi32>
    %swap3A_191 = vector.shape_cast %add3A_187 : vector<16xi32> to vector<16xi32>
    tpu.vector_store %arg9[%swap3A_188], %swap3A_191 {strides = array<i32>} : memref<48xi32, #tpu.memory_space<vmem>>, vector<16xi32>,
    %add3A_192 = arith.constant 57600 : i32
    %add3A_193 = vector.broadcast %add3A_192 : i32 to vector<16xi32>
    %add3A_194 = arith.addi %select_n3A_170, %add3A_193 : vector<16xi32>
    %swap3A_195 = arith.constant 32 : index
    %swap3A_196 = tpu.vector_load %arg10[%swap3A_195] {strides = array<i32>} : memref<48xi32, #tpu.memory_space<vmem>>, vector<16xi32>,
    %swap3A_197 = vector.shape_cast %swap3A_196 : vector<16xi32> to vector<16xi32>
    %swap3A_198 = vector.shape_cast %add3A_194 : vector<16xi32> to vector<16xi32>
    tpu.vector_store %arg10[%swap3A_195], %swap3A_198 {strides = array<i32>} : memref<48xi32, #tpu.memory_space<vmem>>, vector<16xi32>,
    %dma_start3A = arith.constant 0 : i32
    %dma_start3A_199 = tpu.memref_slice %arg2[%dma_start3A] : memref<76800xf32, #tpu.memory_space<hbm>> -> memref<76800xf32, #tpu.memory_space<hbm>>
    tpu.enqueue_indirect_dma source(%dma_start3A_199 : memref<76800xf32, #tpu.memory_space<hbm>>) target(%arg11 : memref<48xf32, #tpu.memory_space<vmem>>) offsets(%arg7 : memref<48xi32, #tpu.memory_space<vmem>>) semaphore(%arg20 : memref<!tpu.dma_semaphore, #tpu.memory_space<semaphore_mem>>)
    %dma_wait3A = arith.constant 0 : i32
    %dma_wait3A_200 = tpu.memref_slice %arg2[%dma_wait3A] : memref<76800xf32, #tpu.memory_space<hbm>> -> memref<76800xf32, #tpu.memory_space<hbm>>
    tpu.wait_indirect_dma semaphore(%arg20 : memref<!tpu.dma_semaphore, #tpu.memory_space<semaphore_mem>>) src(%dma_wait3A_200 : memref<76800xf32, #tpu.memory_space<hbm>>) dst(%arg11 : memref<48xf32, #tpu.memory_space<vmem>>)
    %dma_start3A_201 = arith.constant 0 : i32
    %dma_start3A_202 = tpu.memref_slice %arg2[%dma_start3A_201] : memref<76800xf32, #tpu.memory_space<hbm>> -> memref<76800xf32, #tpu.memory_space<hbm>>
    tpu.enqueue_indirect_dma source(%dma_start3A_202 : memref<76800xf32, #tpu.memory_space<hbm>>) target(%arg12 : memref<48xf32, #tpu.memory_space<vmem>>) offsets(%arg8 : memref<48xi32, #tpu.memory_space<vmem>>) semaphore(%arg20 : memref<!tpu.dma_semaphore, #tpu.memory_space<semaphore_mem>>)
    %dma_wait3A_203 = arith.constant 0 : i32
    %dma_wait3A_204 = tpu.memref_slice %arg2[%dma_wait3A_203] : memref<76800xf32, #tpu.memory_space<hbm>> -> memref<76800xf32, #tpu.memory_space<hbm>>
    tpu.wait_indirect_dma semaphore(%arg20 : memref<!tpu.dma_semaphore, #tpu.memory_space<semaphore_mem>>) src(%dma_wait3A_204 : memref<76800xf32, #tpu.memory_space<hbm>>) dst(%arg12 : memref<48xf32, #tpu.memory_space<vmem>>)
    %dma_start3A_205 = arith.constant 0 : i32
    %dma_start3A_206 = tpu.memref_slice %arg2[%dma_start3A_205] : memref<76800xf32, #tpu.memory_space<hbm>> -> memref<76800xf32, #tpu.memory_space<hbm>>
    tpu.enqueue_indirect_dma source(%dma_start3A_206 : memref<76800xf32, #tpu.memory_space<hbm>>) target(%arg13 : memref<48xf32, #tpu.memory_space<vmem>>) offsets(%arg9 : memref<48xi32, #tpu.memory_space<vmem>>) semaphore(%arg20 : memref<!tpu.dma_semaphore, #tpu.memory_space<semaphore_mem>>)
    %dma_wait3A_207 = arith.constant 0 : i32
    %dma_wait3A_208 = tpu.memref_slice %arg2[%dma_wait3A_207] : memref<76800xf32, #tpu.memory_space<hbm>> -> memref<76800xf32, #tpu.memory_space<hbm>>
    tpu.wait_indirect_dma semaphore(%arg20 : memref<!tpu.dma_semaphore, #tpu.memory_space<semaphore_mem>>) src(%dma_wait3A_208 : memref<76800xf32, #tpu.memory_space<hbm>>) dst(%arg13 : memref<48xf32, #tpu.memory_space<vmem>>)
    %dma_start3A_209 = arith.constant 0 : i32
    %dma_start3A_210 = tpu.memref_slice %arg2[%dma_start3A_209] : memref<76800xf32, #tpu.memory_space<hbm>> -> memref<76800xf32, #tpu.memory_space<hbm>>
    tpu.enqueue_indirect_dma source(%dma_start3A_210 : memref<76800xf32, #tpu.memory_space<hbm>>) target(%arg14 : memref<48xf32, #tpu.memory_space<vmem>>) offsets(%arg10 : memref<48xi32, #tpu.memory_space<vmem>>) semaphore(%arg20 : memref<!tpu.dma_semaphore, #tpu.memory_space<semaphore_mem>>)
    %dma_wait3A_211 = arith.constant 0 : i32
    %dma_wait3A_212 = tpu.memref_slice %arg2[%dma_wait3A_211] : memref<76800xf32, #tpu.memory_space<hbm>> -> memref<76800xf32, #tpu.memory_space<hbm>>
    tpu.wait_indirect_dma semaphore(%arg20 : memref<!tpu.dma_semaphore, #tpu.memory_space<semaphore_mem>>) src(%dma_wait3A_212 : memref<76800xf32, #tpu.memory_space<hbm>>) dst(%arg14 : memref<48xf32, #tpu.memory_space<vmem>>)
    %broadcast_in_dim3A_213 = arith.constant 0.000000e+00 : f32
    %broadcast_in_dim3A_214 = vector.broadcast %broadcast_in_dim3A_213 : f32 to vector<16xf32>
    %broadcast_in_dim3A_215 = arith.constant 0.000000e+00 : f32
    %broadcast_in_dim3A_216 = vector.broadcast %broadcast_in_dim3A_215 : f32 to vector<16xf32>
    %add3A_217 = arith.constant 0 : i32
    %add3A_218 = vector.broadcast %add3A_217 : i32 to vector<16xi32>
    %add3A_219 = arith.addi %iota3A, %add3A_218 : vector<16xi32>
    %lt3A_220 = arith.constant 40 : i32
    %lt3A_221 = vector.broadcast %lt3A_220 : i32 to vector<16xi32>
    %lt3A_222 = arith.cmpi slt, %add3A_219, %lt3A_221 : vector<16xi32>
    %get3A_223 = arith.constant 0 : index
    %get3A_224 = tpu.vector_load %arg11[%get3A_223] {strides = array<i32>} : memref<48xf32, #tpu.memory_space<vmem>>, vector<16xf32>,
    %get3A_225 = vector.shape_cast %get3A_224 : vector<16xf32> to vector<16xf32>
    %get3A_226 = arith.constant 0 : index
    %get3A_227 = tpu.vector_load %arg12[%get3A_226] {strides = array<i32>} : memref<48xf32, #tpu.memory_space<vmem>>, vector<16xf32>,
    %get3A_228 = vector.shape_cast %get3A_227 : vector<16xf32> to vector<16xf32>
    %get3A_229 = arith.constant 0 : index
    %get3A_230 = tpu.vector_load %arg13[%get3A_229] {strides = array<i32>} : memref<48xf32, #tpu.memory_space<vmem>>, vector<16xf32>,
    %get3A_231 = vector.shape_cast %get3A_230 : vector<16xf32> to vector<16xf32>
    %get3A_232 = arith.constant 0 : index
    %get3A_233 = tpu.vector_load %arg14[%get3A_232] {strides = array<i32>} : memref<48xf32, #tpu.memory_space<vmem>>, vector<16xf32>,
    %get3A_234 = vector.shape_cast %get3A_233 : vector<16xf32> to vector<16xf32>
    %get3A_235 = arith.constant 0 : index
    %get3A_236 = tpu.vector_load %arg15[%get3A_235] {strides = array<i32>} : memref<48xf32, #tpu.memory_space<vmem>>, vector<16xf32>,
    %get3A_237 = vector.shape_cast %get3A_236 : vector<16xf32> to vector<16xf32>
    %get3A_238 = arith.constant 0 : index
    %get3A_239 = tpu.vector_load %arg16[%get3A_238] {strides = array<i32>} : memref<48xf32, #tpu.memory_space<vmem>>, vector<16xf32>,
    %get3A_240 = vector.shape_cast %get3A_239 : vector<16xf32> to vector<16xf32>
    %get3A_241 = arith.constant 0 : index
    %get3A_242 = tpu.vector_load %arg17[%get3A_241] {strides = array<i32>} : memref<48xf32, #tpu.memory_space<vmem>>, vector<16xf32>,
    %get3A_243 = vector.shape_cast %get3A_242 : vector<16xf32> to vector<16xf32>
    %get3A_244 = arith.constant 0 : index
    %get3A_245 = tpu.vector_load %arg18[%get3A_244] {strides = array<i32>} : memref<48xf32, #tpu.memory_space<vmem>>, vector<16xf32>,
    %get3A_246 = vector.shape_cast %get3A_245 : vector<16xf32> to vector<16xf32>
    %sub3A = arith.subf %get3A_225, %get3A_237 : vector<16xf32>
    %abs3A = math.absf %sub3A : vector<16xf32>
    %sub3A_247 = arith.subf %get3A_228, %get3A_240 : vector<16xf32>
    %abs3A_248 = math.absf %sub3A_247 : vector<16xf32>
    %add3A_249 = arith.addf %abs3A, %abs3A_248 : vector<16xf32>
    %sub3A_250 = arith.subf %get3A_231, %get3A_243 : vector<16xf32>
    %abs3A_251 = math.absf %sub3A_250 : vector<16xf32>
    %add3A_252 = arith.addf %add3A_249, %abs3A_251 : vector<16xf32>
    %sub3A_253 = arith.subf %get3A_234, %get3A_246 : vector<16xf32>
    %abs3A_254 = math.absf %sub3A_253 : vector<16xf32>
    %add3A_255 = arith.addf %add3A_252, %abs3A_254 : vector<16xf32>
    %jit3A_256 = arith.constant 0.000000e+00 : f32
    %broadcast_in_dim3A_257 = vector.broadcast %jit3A_256 : f32 to vector<16xf32>
    %select_n3A_258 = arith.select %lt3A_222, %add3A_255, %broadcast_in_dim3A_257 : vector<16xi1>, vector<16xf32>
    %add3A_259 = arith.addf %broadcast_in_dim3A_214, %select_n3A_258 : vector<16xf32>
    %mul3A_260 = arith.constant 5.000000e-01 : f32
    %mul3A_261 = vector.broadcast %mul3A_260 : f32 to vector<16xf32>
    %mul3A_262 = arith.mulf %mul3A_261, %get3A_231 : vector<16xf32>
    %sub3A_263 = arith.subf %get3A_225, %mul3A_262 : vector<16xf32>
    %mul3A_264 = arith.constant 5.000000e-01 : f32
    %mul3A_265 = vector.broadcast %mul3A_264 : f32 to vector<16xf32>
    %mul3A_266 = arith.mulf %mul3A_265, %get3A_231 : vector<16xf32>
    %add3A_267 = arith.addf %get3A_225, %mul3A_266 : vector<16xf32>
    %mul3A_268 = arith.constant 5.000000e-01 : f32
    %mul3A_269 = vector.broadcast %mul3A_268 : f32 to vector<16xf32>
    %mul3A_270 = arith.mulf %mul3A_269, %get3A_234 : vector<16xf32>
    %sub3A_271 = arith.subf %get3A_228, %mul3A_270 : vector<16xf32>
    %mul3A_272 = arith.constant 5.000000e-01 : f32
    %mul3A_273 = vector.broadcast %mul3A_272 : f32 to vector<16xf32>
    %mul3A_274 = arith.mulf %mul3A_273, %get3A_234 : vector<16xf32>
    %add3A_275 = arith.addf %get3A_228, %mul3A_274 : vector<16xf32>
    %mul3A_276 = arith.constant 5.000000e-01 : f32
    %mul3A_277 = vector.broadcast %mul3A_276 : f32 to vector<16xf32>
    %mul3A_278 = arith.mulf %mul3A_277, %get3A_243 : vector<16xf32>
    %sub3A_279 = arith.subf %get3A_237, %mul3A_278 : vector<16xf32>
    %mul3A_280 = arith.constant 5.000000e-01 : f32
    %mul3A_281 = vector.broadcast %mul3A_280 : f32 to vector<16xf32>
    %mul3A_282 = arith.mulf %mul3A_281, %get3A_243 : vector<16xf32>
    %add3A_283 = arith.addf %get3A_237, %mul3A_282 : vector<16xf32>
    %mul3A_284 = arith.constant 5.000000e-01 : f32
    %mul3A_285 = vector.broadcast %mul3A_284 : f32 to vector<16xf32>
    %mul3A_286 = arith.mulf %mul3A_285, %get3A_246 : vector<16xf32>
    %sub3A_287 = arith.subf %get3A_240, %mul3A_286 : vector<16xf32>
    %mul3A_288 = arith.constant 5.000000e-01 : f32
    %mul3A_289 = vector.broadcast %mul3A_288 : f32 to vector<16xf32>
    %mul3A_290 = arith.mulf %mul3A_289, %get3A_246 : vector<16xf32>
    %add3A_291 = arith.addf %get3A_240, %mul3A_290 : vector<16xf32>
    %sub3A_292 = arith.subf %add3A_267, %sub3A_263 : vector<16xf32>
    %sub3A_293 = arith.subf %add3A_275, %sub3A_271 : vector<16xf32>
    %mul3A_294 = arith.mulf %sub3A_292, %sub3A_293 : vector<16xf32>
    %sub3A_295 = arith.subf %add3A_283, %sub3A_279 : vector<16xf32>
    %sub3A_296 = arith.subf %add3A_291, %sub3A_287 : vector<16xf32>
    %mul3A_297 = arith.mulf %sub3A_295, %sub3A_296 : vector<16xf32>
    %min3A = arith.minimumf %add3A_267, %add3A_283 : vector<16xf32>
    %max3A = arith.maximumf %sub3A_263, %sub3A_279 : vector<16xf32>
    %sub3A_298 = arith.subf %min3A, %max3A : vector<16xf32>
    %max3A_299 = arith.constant 0.000000e+00 : f32
    %max3A_300 = vector.broadcast %max3A_299 : f32 to vector<16xf32>
    %max3A_301 = arith.maximumf %sub3A_298, %max3A_300 : vector<16xf32>
    %min3A_302 = arith.minimumf %add3A_275, %add3A_291 : vector<16xf32>
    %max3A_303 = arith.maximumf %sub3A_271, %sub3A_287 : vector<16xf32>
    %sub3A_304 = arith.subf %min3A_302, %max3A_303 : vector<16xf32>
    %max3A_305 = arith.constant 0.000000e+00 : f32
    %max3A_306 = vector.broadcast %max3A_305 : f32 to vector<16xf32>
    %max3A_307 = arith.maximumf %sub3A_304, %max3A_306 : vector<16xf32>
    %mul3A_308 = arith.mulf %max3A_301, %max3A_307 : vector<16xf32>
    %add3A_309 = arith.addf %mul3A_294, %mul3A_297 : vector<16xf32>
    %sub3A_310 = arith.subf %add3A_309, %mul3A_308 : vector<16xf32>
    %div3A = arith.divf %mul3A_308, %sub3A_310 : vector<16xf32>
    %max3A_311 = arith.maximumf %add3A_267, %add3A_283 : vector<16xf32>
    %min3A_312 = arith.minimumf %sub3A_263, %sub3A_279 : vector<16xf32>
    %sub3A_313 = arith.subf %max3A_311, %min3A_312 : vector<16xf32>
    %max3A_314 = arith.maximumf %add3A_275, %add3A_291 : vector<16xf32>
    %min3A_315 = arith.minimumf %sub3A_271, %sub3A_287 : vector<16xf32>
    %sub3A_316 = arith.subf %max3A_314, %min3A_315 : vector<16xf32>
    %mul3A_317 = arith.mulf %sub3A_313, %sub3A_316 : vector<16xf32>
    %sub3A_318 = arith.subf %mul3A_317, %sub3A_310 : vector<16xf32>
    %div3A_319 = arith.divf %sub3A_318, %mul3A_317 : vector<16xf32>
    %sub3A_320 = arith.subf %div3A, %div3A_319 : vector<16xf32>
    %sub3A_321 = arith.constant 1.000000e+00 : f32
    %sub3A_322 = vector.broadcast %sub3A_321 : f32 to vector<16xf32>
    %sub3A_323 = arith.subf %sub3A_322, %sub3A_320 : vector<16xf32>
    %jit3A_324 = arith.constant 0.000000e+00 : f32
    %broadcast_in_dim3A_325 = vector.broadcast %jit3A_324 : f32 to vector<16xf32>
    %select_n3A_326 = arith.select %lt3A_222, %sub3A_323, %broadcast_in_dim3A_325 : vector<16xi1>, vector<16xf32>
    %add3A_327 = arith.addf %broadcast_in_dim3A_216, %select_n3A_326 : vector<16xf32>
    %add3A_328 = arith.constant 16 : i32
    %add3A_329 = vector.broadcast %add3A_328 : i32 to vector<16xi32>
    %add3A_330 = arith.addi %iota3A, %add3A_329 : vector<16xi32>
    %lt3A_331 = arith.constant 40 : i32
    %lt3A_332 = vector.broadcast %lt3A_331 : i32 to vector<16xi32>
    %lt3A_333 = arith.cmpi slt, %add3A_330, %lt3A_332 : vector<16xi32>
    %get3A_334 = arith.constant 16 : index
    %get3A_335 = tpu.vector_load %arg11[%get3A_334] {strides = array<i32>} : memref<48xf32, #tpu.memory_space<vmem>>, vector<16xf32>,
    %get3A_336 = vector.shape_cast %get3A_335 : vector<16xf32> to vector<16xf32>
    %get3A_337 = arith.constant 16 : index
    %get3A_338 = tpu.vector_load %arg12[%get3A_337] {strides = array<i32>} : memref<48xf32, #tpu.memory_space<vmem>>, vector<16xf32>,
    %get3A_339 = vector.shape_cast %get3A_338 : vector<16xf32> to vector<16xf32>
    %get3A_340 = arith.constant 16 : index
    %get3A_341 = tpu.vector_load %arg13[%get3A_340] {strides = array<i32>} : memref<48xf32, #tpu.memory_space<vmem>>, vector<16xf32>,
    %get3A_342 = vector.shape_cast %get3A_341 : vector<16xf32> to vector<16xf32>
    %get3A_343 = arith.constant 16 : index
    %get3A_344 = tpu.vector_load %arg14[%get3A_343] {strides = array<i32>} : memref<48xf32, #tpu.memory_space<vmem>>, vector<16xf32>,
    %get3A_345 = vector.shape_cast %get3A_344 : vector<16xf32> to vector<16xf32>
    %get3A_346 = arith.constant 16 : index
    %get3A_347 = tpu.vector_load %arg15[%get3A_346] {strides = array<i32>} : memref<48xf32, #tpu.memory_space<vmem>>, vector<16xf32>,
    %get3A_348 = vector.shape_cast %get3A_347 : vector<16xf32> to vector<16xf32>
    %get3A_349 = arith.constant 16 : index
    %get3A_350 = tpu.vector_load %arg16[%get3A_349] {strides = array<i32>} : memref<48xf32, #tpu.memory_space<vmem>>, vector<16xf32>,
    %get3A_351 = vector.shape_cast %get3A_350 : vector<16xf32> to vector<16xf32>
    %get3A_352 = arith.constant 16 : index
    %get3A_353 = tpu.vector_load %arg17[%get3A_352] {strides = array<i32>} : memref<48xf32, #tpu.memory_space<vmem>>, vector<16xf32>,
    %get3A_354 = vector.shape_cast %get3A_353 : vector<16xf32> to vector<16xf32>
    %get3A_355 = arith.constant 16 : index
    %get3A_356 = tpu.vector_load %arg18[%get3A_355] {strides = array<i32>} : memref<48xf32, #tpu.memory_space<vmem>>, vector<16xf32>,
    %get3A_357 = vector.shape_cast %get3A_356 : vector<16xf32> to vector<16xf32>
    %sub3A_358 = arith.subf %get3A_336, %get3A_348 : vector<16xf32>
    %abs3A_359 = math.absf %sub3A_358 : vector<16xf32>
    %sub3A_360 = arith.subf %get3A_339, %get3A_351 : vector<16xf32>
    %abs3A_361 = math.absf %sub3A_360 : vector<16xf32>
    %add3A_362 = arith.addf %abs3A_359, %abs3A_361 : vector<16xf32>
    %sub3A_363 = arith.subf %get3A_342, %get3A_354 : vector<16xf32>
    %abs3A_364 = math.absf %sub3A_363 : vector<16xf32>
    %add3A_365 = arith.addf %add3A_362, %abs3A_364 : vector<16xf32>
    %sub3A_366 = arith.subf %get3A_345, %get3A_357 : vector<16xf32>
    %abs3A_367 = math.absf %sub3A_366 : vector<16xf32>
    %add3A_368 = arith.addf %add3A_365, %abs3A_367 : vector<16xf32>
    %jit3A_369 = arith.constant 0.000000e+00 : f32
    %broadcast_in_dim3A_370 = vector.broadcast %jit3A_369 : f32 to vector<16xf32>
    %select_n3A_371 = arith.select %lt3A_333, %add3A_368, %broadcast_in_dim3A_370 : vector<16xi1>, vector<16xf32>
    %add3A_372 = arith.addf %add3A_259, %select_n3A_371 : vector<16xf32>
    %mul3A_373 = arith.constant 5.000000e-01 : f32
    %mul3A_374 = vector.broadcast %mul3A_373 : f32 to vector<16xf32>
    %mul3A_375 = arith.mulf %mul3A_374, %get3A_342 : vector<16xf32>
    %sub3A_376 = arith.subf %get3A_336, %mul3A_375 : vector<16xf32>
    %mul3A_377 = arith.constant 5.000000e-01 : f32
    %mul3A_378 = vector.broadcast %mul3A_377 : f32 to vector<16xf32>
    %mul3A_379 = arith.mulf %mul3A_378, %get3A_342 : vector<16xf32>
    %add3A_380 = arith.addf %get3A_336, %mul3A_379 : vector<16xf32>
    %mul3A_381 = arith.constant 5.000000e-01 : f32
    %mul3A_382 = vector.broadcast %mul3A_381 : f32 to vector<16xf32>
    %mul3A_383 = arith.mulf %mul3A_382, %get3A_345 : vector<16xf32>
    %sub3A_384 = arith.subf %get3A_339, %mul3A_383 : vector<16xf32>
    %mul3A_385 = arith.constant 5.000000e-01 : f32
    %mul3A_386 = vector.broadcast %mul3A_385 : f32 to vector<16xf32>
    %mul3A_387 = arith.mulf %mul3A_386, %get3A_345 : vector<16xf32>
    %add3A_388 = arith.addf %get3A_339, %mul3A_387 : vector<16xf32>
    %mul3A_389 = arith.constant 5.000000e-01 : f32
    %mul3A_390 = vector.broadcast %mul3A_389 : f32 to vector<16xf32>
    %mul3A_391 = arith.mulf %mul3A_390, %get3A_354 : vector<16xf32>
    %sub3A_392 = arith.subf %get3A_348, %mul3A_391 : vector<16xf32>
    %mul3A_393 = arith.constant 5.000000e-01 : f32
    %mul3A_394 = vector.broadcast %mul3A_393 : f32 to vector<16xf32>
    %mul3A_395 = arith.mulf %mul3A_394, %get3A_354 : vector<16xf32>
    %add3A_396 = arith.addf %get3A_348, %mul3A_395 : vector<16xf32>
    %mul3A_397 = arith.constant 5.000000e-01 : f32
    %mul3A_398 = vector.broadcast %mul3A_397 : f32 to vector<16xf32>
    %mul3A_399 = arith.mulf %mul3A_398, %get3A_357 : vector<16xf32>
    %sub3A_400 = arith.subf %get3A_351, %mul3A_399 : vector<16xf32>
    %mul3A_401 = arith.constant 5.000000e-01 : f32
    %mul3A_402 = vector.broadcast %mul3A_401 : f32 to vector<16xf32>
    %mul3A_403 = arith.mulf %mul3A_402, %get3A_357 : vector<16xf32>
    %add3A_404 = arith.addf %get3A_351, %mul3A_403 : vector<16xf32>
    %sub3A_405 = arith.subf %add3A_380, %sub3A_376 : vector<16xf32>
    %sub3A_406 = arith.subf %add3A_388, %sub3A_384 : vector<16xf32>
    %mul3A_407 = arith.mulf %sub3A_405, %sub3A_406 : vector<16xf32>
    %sub3A_408 = arith.subf %add3A_396, %sub3A_392 : vector<16xf32>
    %sub3A_409 = arith.subf %add3A_404, %sub3A_400 : vector<16xf32>
    %mul3A_410 = arith.mulf %sub3A_408, %sub3A_409 : vector<16xf32>
    %min3A_411 = arith.minimumf %add3A_380, %add3A_396 : vector<16xf32>
    %max3A_412 = arith.maximumf %sub3A_376, %sub3A_392 : vector<16xf32>
    %sub3A_413 = arith.subf %min3A_411, %max3A_412 : vector<16xf32>
    %max3A_414 = arith.constant 0.000000e+00 : f32
    %max3A_415 = vector.broadcast %max3A_414 : f32 to vector<16xf32>
    %max3A_416 = arith.maximumf %sub3A_413, %max3A_415 : vector<16xf32>
    %min3A_417 = arith.minimumf %add3A_388, %add3A_404 : vector<16xf32>
    %max3A_418 = arith.maximumf %sub3A_384, %sub3A_400 : vector<16xf32>
    %sub3A_419 = arith.subf %min3A_417, %max3A_418 : vector<16xf32>
    %max3A_420 = arith.constant 0.000000e+00 : f32
    %max3A_421 = vector.broadcast %max3A_420 : f32 to vector<16xf32>
    %max3A_422 = arith.maximumf %sub3A_419, %max3A_421 : vector<16xf32>
    %mul3A_423 = arith.mulf %max3A_416, %max3A_422 : vector<16xf32>
    %add3A_424 = arith.addf %mul3A_407, %mul3A_410 : vector<16xf32>
    %sub3A_425 = arith.subf %add3A_424, %mul3A_423 : vector<16xf32>
    %div3A_426 = arith.divf %mul3A_423, %sub3A_425 : vector<16xf32>
    %max3A_427 = arith.maximumf %add3A_380, %add3A_396 : vector<16xf32>
    %min3A_428 = arith.minimumf %sub3A_376, %sub3A_392 : vector<16xf32>
    %sub3A_429 = arith.subf %max3A_427, %min3A_428 : vector<16xf32>
    %max3A_430 = arith.maximumf %add3A_388, %add3A_404 : vector<16xf32>
    %min3A_431 = arith.minimumf %sub3A_384, %sub3A_400 : vector<16xf32>
    %sub3A_432 = arith.subf %max3A_430, %min3A_431 : vector<16xf32>
    %mul3A_433 = arith.mulf %sub3A_429, %sub3A_432 : vector<16xf32>
    %sub3A_434 = arith.subf %mul3A_433, %sub3A_425 : vector<16xf32>
    %div3A_435 = arith.divf %sub3A_434, %mul3A_433 : vector<16xf32>
    %sub3A_436 = arith.subf %div3A_426, %div3A_435 : vector<16xf32>
    %sub3A_437 = arith.constant 1.000000e+00 : f32
    %sub3A_438 = vector.broadcast %sub3A_437 : f32 to vector<16xf32>
    %sub3A_439 = arith.subf %sub3A_438, %sub3A_436 : vector<16xf32>
    %jit3A_440 = arith.constant 0.000000e+00 : f32
    %broadcast_in_dim3A_441 = vector.broadcast %jit3A_440 : f32 to vector<16xf32>
    %select_n3A_442 = arith.select %lt3A_333, %sub3A_439, %broadcast_in_dim3A_441 : vector<16xi1>, vector<16xf32>
    %add3A_443 = arith.addf %add3A_327, %select_n3A_442 : vector<16xf32>
    %add3A_444 = arith.constant 32 : i32
    %add3A_445 = vector.broadcast %add3A_444 : i32 to vector<16xi32>
    %add3A_446 = arith.addi %iota3A, %add3A_445 : vector<16xi32>
    %lt3A_447 = arith.constant 40 : i32
    %lt3A_448 = vector.broadcast %lt3A_447 : i32 to vector<16xi32>
    %lt3A_449 = arith.cmpi slt, %add3A_446, %lt3A_448 : vector<16xi32>
    %get3A_450 = arith.constant 32 : index
    %get3A_451 = tpu.vector_load %arg11[%get3A_450] {strides = array<i32>} : memref<48xf32, #tpu.memory_space<vmem>>, vector<16xf32>,
    %get3A_452 = vector.shape_cast %get3A_451 : vector<16xf32> to vector<16xf32>
    %get3A_453 = arith.constant 32 : index
    %get3A_454 = tpu.vector_load %arg12[%get3A_453] {strides = array<i32>} : memref<48xf32, #tpu.memory_space<vmem>>, vector<16xf32>,
    %get3A_455 = vector.shape_cast %get3A_454 : vector<16xf32> to vector<16xf32>
    %get3A_456 = arith.constant 32 : index
    %get3A_457 = tpu.vector_load %arg13[%get3A_456] {strides = array<i32>} : memref<48xf32, #tpu.memory_space<vmem>>, vector<16xf32>,
    %get3A_458 = vector.shape_cast %get3A_457 : vector<16xf32> to vector<16xf32>
    %get3A_459 = arith.constant 32 : index
    %get3A_460 = tpu.vector_load %arg14[%get3A_459] {strides = array<i32>} : memref<48xf32, #tpu.memory_space<vmem>>, vector<16xf32>,
    %get3A_461 = vector.shape_cast %get3A_460 : vector<16xf32> to vector<16xf32>
    %get3A_462 = arith.constant 32 : index
    %get3A_463 = tpu.vector_load %arg15[%get3A_462] {strides = array<i32>} : memref<48xf32, #tpu.memory_space<vmem>>, vector<16xf32>,
    %get3A_464 = vector.shape_cast %get3A_463 : vector<16xf32> to vector<16xf32>
    %get3A_465 = arith.constant 32 : index
    %get3A_466 = tpu.vector_load %arg16[%get3A_465] {strides = array<i32>} : memref<48xf32, #tpu.memory_space<vmem>>, vector<16xf32>,
    %get3A_467 = vector.shape_cast %get3A_466 : vector<16xf32> to vector<16xf32>
    %get3A_468 = arith.constant 32 : index
    %get3A_469 = tpu.vector_load %arg17[%get3A_468] {strides = array<i32>} : memref<48xf32, #tpu.memory_space<vmem>>, vector<16xf32>,
    %get3A_470 = vector.shape_cast %get3A_469 : vector<16xf32> to vector<16xf32>
    %get3A_471 = arith.constant 32 : index
    %get3A_472 = tpu.vector_load %arg18[%get3A_471] {strides = array<i32>} : memref<48xf32, #tpu.memory_space<vmem>>, vector<16xf32>,
    %get3A_473 = vector.shape_cast %get3A_472 : vector<16xf32> to vector<16xf32>
    %sub3A_474 = arith.subf %get3A_452, %get3A_464 : vector<16xf32>
    %abs3A_475 = math.absf %sub3A_474 : vector<16xf32>
    %sub3A_476 = arith.subf %get3A_455, %get3A_467 : vector<16xf32>
    %abs3A_477 = math.absf %sub3A_476 : vector<16xf32>
    %add3A_478 = arith.addf %abs3A_475, %abs3A_477 : vector<16xf32>
    %sub3A_479 = arith.subf %get3A_458, %get3A_470 : vector<16xf32>
    %abs3A_480 = math.absf %sub3A_479 : vector<16xf32>
    %add3A_481 = arith.addf %add3A_478, %abs3A_480 : vector<16xf32>
    %sub3A_482 = arith.subf %get3A_461, %get3A_473 : vector<16xf32>
    %abs3A_483 = math.absf %sub3A_482 : vector<16xf32>
    %add3A_484 = arith.addf %add3A_481, %abs3A_483 : vector<16xf32>
    %jit3A_485 = arith.constant 0.000000e+00 : f32
    %broadcast_in_dim3A_486 = vector.broadcast %jit3A_485 : f32 to vector<16xf32>
    %select_n3A_487 = arith.select %lt3A_449, %add3A_484, %broadcast_in_dim3A_486 : vector<16xi1>, vector<16xf32>
    %add3A_488 = arith.addf %add3A_372, %select_n3A_487 : vector<16xf32>
    %mul3A_489 = arith.constant 5.000000e-01 : f32
    %mul3A_490 = vector.broadcast %mul3A_489 : f32 to vector<16xf32>
    %mul3A_491 = arith.mulf %mul3A_490, %get3A_458 : vector<16xf32>
    %sub3A_492 = arith.subf %get3A_452, %mul3A_491 : vector<16xf32>
    %mul3A_493 = arith.constant 5.000000e-01 : f32
    %mul3A_494 = vector.broadcast %mul3A_493 : f32 to vector<16xf32>
    %mul3A_495 = arith.mulf %mul3A_494, %get3A_458 : vector<16xf32>
    %add3A_496 = arith.addf %get3A_452, %mul3A_495 : vector<16xf32>
    %mul3A_497 = arith.constant 5.000000e-01 : f32
    %mul3A_498 = vector.broadcast %mul3A_497 : f32 to vector<16xf32>
    %mul3A_499 = arith.mulf %mul3A_498, %get3A_461 : vector<16xf32>
    %sub3A_500 = arith.subf %get3A_455, %mul3A_499 : vector<16xf32>
    %mul3A_501 = arith.constant 5.000000e-01 : f32
    %mul3A_502 = vector.broadcast %mul3A_501 : f32 to vector<16xf32>
    %mul3A_503 = arith.mulf %mul3A_502, %get3A_461 : vector<16xf32>
    %add3A_504 = arith.addf %get3A_455, %mul3A_503 : vector<16xf32>
    %mul3A_505 = arith.constant 5.000000e-01 : f32
    %mul3A_506 = vector.broadcast %mul3A_505 : f32 to vector<16xf32>
    %mul3A_507 = arith.mulf %mul3A_506, %get3A_470 : vector<16xf32>
    %sub3A_508 = arith.subf %get3A_464, %mul3A_507 : vector<16xf32>
    %mul3A_509 = arith.constant 5.000000e-01 : f32
    %mul3A_510 = vector.broadcast %mul3A_509 : f32 to vector<16xf32>
    %mul3A_511 = arith.mulf %mul3A_510, %get3A_470 : vector<16xf32>
    %add3A_512 = arith.addf %get3A_464, %mul3A_511 : vector<16xf32>
    %mul3A_513 = arith.constant 5.000000e-01 : f32
    %mul3A_514 = vector.broadcast %mul3A_513 : f32 to vector<16xf32>
    %mul3A_515 = arith.mulf %mul3A_514, %get3A_473 : vector<16xf32>
    %sub3A_516 = arith.subf %get3A_467, %mul3A_515 : vector<16xf32>
    %mul3A_517 = arith.constant 5.000000e-01 : f32
    %mul3A_518 = vector.broadcast %mul3A_517 : f32 to vector<16xf32>
    %mul3A_519 = arith.mulf %mul3A_518, %get3A_473 : vector<16xf32>
    %add3A_520 = arith.addf %get3A_467, %mul3A_519 : vector<16xf32>
    %sub3A_521 = arith.subf %add3A_496, %sub3A_492 : vector<16xf32>
    %sub3A_522 = arith.subf %add3A_504, %sub3A_500 : vector<16xf32>
    %mul3A_523 = arith.mulf %sub3A_521, %sub3A_522 : vector<16xf32>
    %sub3A_524 = arith.subf %add3A_512, %sub3A_508 : vector<16xf32>
    %sub3A_525 = arith.subf %add3A_520, %sub3A_516 : vector<16xf32>
    %mul3A_526 = arith.mulf %sub3A_524, %sub3A_525 : vector<16xf32>
    %min3A_527 = arith.minimumf %add3A_496, %add3A_512 : vector<16xf32>
    %max3A_528 = arith.maximumf %sub3A_492, %sub3A_508 : vector<16xf32>
    %sub3A_529 = arith.subf %min3A_527, %max3A_528 : vector<16xf32>
    %max3A_530 = arith.constant 0.000000e+00 : f32
    %max3A_531 = vector.broadcast %max3A_530 : f32 to vector<16xf32>
    %max3A_532 = arith.maximumf %sub3A_529, %max3A_531 : vector<16xf32>
    %min3A_533 = arith.minimumf %add3A_504, %add3A_520 : vector<16xf32>
    %max3A_534 = arith.maximumf %sub3A_500, %sub3A_516 : vector<16xf32>
    %sub3A_535 = arith.subf %min3A_533, %max3A_534 : vector<16xf32>
    %max3A_536 = arith.constant 0.000000e+00 : f32
    %max3A_537 = vector.broadcast %max3A_536 : f32 to vector<16xf32>
    %max3A_538 = arith.maximumf %sub3A_535, %max3A_537 : vector<16xf32>
    %mul3A_539 = arith.mulf %max3A_532, %max3A_538 : vector<16xf32>
    %add3A_540 = arith.addf %mul3A_523, %mul3A_526 : vector<16xf32>
    %sub3A_541 = arith.subf %add3A_540, %mul3A_539 : vector<16xf32>
    %div3A_542 = arith.divf %mul3A_539, %sub3A_541 : vector<16xf32>
    %max3A_543 = arith.maximumf %add3A_496, %add3A_512 : vector<16xf32>
    %min3A_544 = arith.minimumf %sub3A_492, %sub3A_508 : vector<16xf32>
    %sub3A_545 = arith.subf %max3A_543, %min3A_544 : vector<16xf32>
    %max3A_546 = arith.maximumf %add3A_504, %add3A_520 : vector<16xf32>
    %min3A_547 = arith.minimumf %sub3A_500, %sub3A_516 : vector<16xf32>
    %sub3A_548 = arith.subf %max3A_546, %min3A_547 : vector<16xf32>
    %mul3A_549 = arith.mulf %sub3A_545, %sub3A_548 : vector<16xf32>
    %sub3A_550 = arith.subf %mul3A_549, %sub3A_541 : vector<16xf32>
    %div3A_551 = arith.divf %sub3A_550, %mul3A_549 : vector<16xf32>
    %sub3A_552 = arith.subf %div3A_542, %div3A_551 : vector<16xf32>
    %sub3A_553 = arith.constant 1.000000e+00 : f32
    %sub3A_554 = vector.broadcast %sub3A_553 : f32 to vector<16xf32>
    %sub3A_555 = arith.subf %sub3A_554, %sub3A_552 : vector<16xf32>
    %jit3A_556 = arith.constant 0.000000e+00 : f32
    %broadcast_in_dim3A_557 = vector.broadcast %jit3A_556 : f32 to vector<16xf32>
    %select_n3A_558 = arith.select %lt3A_449, %sub3A_555, %broadcast_in_dim3A_557 : vector<16xi1>, vector<16xf32>
    %add3A_559 = arith.addf %add3A_443, %select_n3A_558 : vector<16xf32>
    %swap3A_560 = arith.constant 0 : i32
    %swap3A_561 = arith.index_cast %swap3A_560 : i32 to index
    %swap3A_562 = arith.constant 0 : index
    %swap3A_563 = tpu.vector_load %arg19[%swap3A_561, %swap3A_562] {strides = array<i32>} : memref<2x16xf32, #tpu.memory_space<vmem>>, vector<1x16xf32>,
    %swap3A_564 = vector.shape_cast %swap3A_563 : vector<1x16xf32> to vector<16xf32>
    %swap3A_565 = vector.shape_cast %add3A_488 : vector<16xf32> to vector<1x16xf32>
    tpu.vector_store %arg19[%swap3A_561, %swap3A_562], %swap3A_565 {strides = array<i32>} : memref<2x16xf32, #tpu.memory_space<vmem>>, vector<1x16xf32>,
    %swap3A_566 = arith.constant 1 : i32
    %swap3A_567 = arith.index_cast %swap3A_566 : i32 to index
    %swap3A_568 = arith.constant 0 : index
    %swap3A_569 = tpu.vector_load %arg19[%swap3A_567, %swap3A_568] {strides = array<i32>} : memref<2x16xf32, #tpu.memory_space<vmem>>, vector<1x16xf32>,
    %swap3A_570 = vector.shape_cast %swap3A_569 : vector<1x16xf32> to vector<16xf32>
    %swap3A_571 = vector.shape_cast %add3A_559 : vector<16xf32> to vector<1x16xf32>
    tpu.vector_store %arg19[%swap3A_567, %swap3A_568], %swap3A_571 {strides = array<i32>} : memref<2x16xf32, #tpu.memory_space<vmem>>, vector<1x16xf32>,
    %run_scoped3A = arith.constant 0 : i32
    %run_scoped3A_572 = arith.constant 0 : i32
    "tpu.region"() ({
      %run_scoped3A_575 = tpu.sem_alloc : memref<!tpu.dma_semaphore, #tpu.memory_space<semaphore_mem>>
      %dma_start3A_576 = arith.constant 0 : i32
      %dma_start3A_577 = tpu.memref_slice %arg19[%run_scoped3A, %dma_start3A_576] : memref<2x16xf32, #tpu.memory_space<vmem>> -> memref<1x16xf32, #tpu.memory_space<vmem>>
      %dma_start3A_578 = tpu.memref_squeeze %dma_start3A_577 : memref<1x16xf32, #tpu.memory_space<vmem>> -> memref<16xf32, #tpu.memory_space<vmem>>
      %dma_start3A_579 = arith.constant 0 : i32
      %dma_start3A_580 = arith.constant 0 : i32
      %dma_start3A_581 = tpu.memref_slice %arg5[%run_scoped3A_572, %dma_start3A_579, %dma_start3A_580] : memref<2x32x16xf32, #tpu.memory_space<hbm>> -> memref<1x32x16xf32, #tpu.memory_space<hbm>>
      %dma_start3A_582 = tpu.memref_squeeze %dma_start3A_581 : memref<1x32x16xf32, #tpu.memory_space<hbm>> -> memref<32x16xf32, #tpu.memory_space<hbm>>
      %dma_start3A_583 = arith.constant 0 : i32
      %dma_start3A_584 = tpu.memref_slice %dma_start3A_582[%add3A, %dma_start3A_583] : memref<32x16xf32, #tpu.memory_space<hbm>> -> memref<1x16xf32, #tpu.memory_space<hbm>>
      %dma_start3A_585 = tpu.memref_squeeze %dma_start3A_584 : memref<1x16xf32, #tpu.memory_space<hbm>> -> memref<16xf32, #tpu.memory_space<hbm>>
      %dma_start3A_586 = arith.constant 0 : i32
      %dma_start3A_587 = arith.constant 0 : i32
      %dma_start3A_588 = tpu.memref_slice %arg5[%run_scoped3A_572, %dma_start3A_586, %dma_start3A_587] : memref<2x32x16xf32, #tpu.memory_space<hbm>> -> memref<1x32x16xf32, #tpu.memory_space<hbm>>
      %dma_start3A_589 = tpu.memref_squeeze %dma_start3A_588 : memref<1x32x16xf32, #tpu.memory_space<hbm>> -> memref<32x16xf32, #tpu.memory_space<hbm>>
      %dma_start3A_590 = arith.constant 0 : i32
      %dma_start3A_591 = tpu.memref_slice %dma_start3A_589[%add3A, %dma_start3A_590] : memref<32x16xf32, #tpu.memory_space<hbm>> -> memref<1x16xf32, #tpu.memory_space<hbm>>
      %dma_start3A_592 = tpu.memref_squeeze %dma_start3A_591 : memref<1x16xf32, #tpu.memory_space<hbm>> -> memref<16xf32, #tpu.memory_space<hbm>>
      %dma_start3A_593 = arith.constant 0 : i32
      %dma_start3A_594 = tpu.memref_slice %arg19[%run_scoped3A, %dma_start3A_593] : memref<2x16xf32, #tpu.memory_space<vmem>> -> memref<1x16xf32, #tpu.memory_space<vmem>>
      %dma_start3A_595 = tpu.memref_squeeze %dma_start3A_594 : memref<1x16xf32, #tpu.memory_space<vmem>> -> memref<16xf32, #tpu.memory_space<vmem>>
      tpu.enqueue_dma source(%dma_start3A_595 : memref<16xf32, #tpu.memory_space<vmem>>) target(%dma_start3A_592 : memref<16xf32, #tpu.memory_space<hbm>>) target_semaphore(%run_scoped3A_575 : memref<!tpu.dma_semaphore, #tpu.memory_space<semaphore_mem>>)
      %dma_wait3A_596 = arith.constant 0 : i32
      %dma_wait3A_597 = tpu.memref_slice %arg19[%run_scoped3A, %dma_wait3A_596] : memref<2x16xf32, #tpu.memory_space<vmem>> -> memref<1x16xf32, #tpu.memory_space<vmem>>
      %dma_wait3A_598 = tpu.memref_squeeze %dma_wait3A_597 : memref<1x16xf32, #tpu.memory_space<vmem>> -> memref<16xf32, #tpu.memory_space<vmem>>
      %dma_wait3A_599 = arith.constant 0 : i32
      %dma_wait3A_600 = arith.constant 0 : i32
      %dma_wait3A_601 = tpu.memref_slice %arg5[%run_scoped3A_572, %dma_wait3A_599, %dma_wait3A_600] : memref<2x32x16xf32, #tpu.memory_space<hbm>> -> memref<1x32x16xf32, #tpu.memory_space<hbm>>
      %dma_wait3A_602 = tpu.memref_squeeze %dma_wait3A_601 : memref<1x32x16xf32, #tpu.memory_space<hbm>> -> memref<32x16xf32, #tpu.memory_space<hbm>>
      %dma_wait3A_603 = arith.constant 0 : i32
      %dma_wait3A_604 = tpu.memref_slice %dma_wait3A_602[%add3A, %dma_wait3A_603] : memref<32x16xf32, #tpu.memory_space<hbm>> -> memref<1x16xf32, #tpu.memory_space<hbm>>
      %dma_wait3A_605 = tpu.memref_squeeze %dma_wait3A_604 : memref<1x16xf32, #tpu.memory_space<hbm>> -> memref<16xf32, #tpu.memory_space<hbm>>
      %dma_wait3A_606 = arith.constant 0 : i32
      %dma_wait3A_607 = arith.constant 0 : i32
      %dma_wait3A_608 = tpu.memref_slice %arg5[%run_scoped3A_572, %dma_wait3A_606, %dma_wait3A_607] : memref<2x32x16xf32, #tpu.memory_space<hbm>> -> memref<1x32x16xf32, #tpu.memory_space<hbm>>
      %dma_wait3A_609 = tpu.memref_squeeze %dma_wait3A_608 : memref<1x32x16xf32, #tpu.memory_space<hbm>> -> memref<32x16xf32, #tpu.memory_space<hbm>>
      %dma_wait3A_610 = arith.constant 0 : i32
      %dma_wait3A_611 = tpu.memref_slice %dma_wait3A_609[%add3A, %dma_wait3A_610] : memref<32x16xf32, #tpu.memory_space<hbm>> -> memref<1x16xf32, #tpu.memory_space<hbm>>
      %dma_wait3A_612 = tpu.memref_squeeze %dma_wait3A_611 : memref<1x16xf32, #tpu.memory_space<hbm>> -> memref<16xf32, #tpu.memory_space<hbm>>
      %dma_wait3A_613 = arith.constant 0 : i32
      %dma_wait3A_614 = tpu.memref_slice %arg19[%run_scoped3A, %dma_wait3A_613] : memref<2x16xf32, #tpu.memory_space<vmem>> -> memref<1x16xf32, #tpu.memory_space<vmem>>
      %dma_wait3A_615 = tpu.memref_squeeze %dma_wait3A_614 : memref<1x16xf32, #tpu.memory_space<vmem>> -> memref<16xf32, #tpu.memory_space<vmem>>
      tpu.wait_dma2 semaphore(%run_scoped3A_575 : memref<!tpu.dma_semaphore, #tpu.memory_space<semaphore_mem>>) src(%dma_wait3A_615 : memref<16xf32, #tpu.memory_space<vmem>>) dst(%dma_wait3A_612 : memref<16xf32, #tpu.memory_space<hbm>>)
      tpu.yield
    }) : () -> ()
    %run_scoped3A_573 = arith.constant 1 : i32
    %run_scoped3A_574 = arith.constant 1 : i32
    "tpu.region"() ({
      %run_scoped3A_575 = tpu.sem_alloc : memref<!tpu.dma_semaphore, #tpu.memory_space<semaphore_mem>>
      %dma_start3A_576 = arith.constant 0 : i32
      %dma_start3A_577 = tpu.memref_slice %arg19[%run_scoped3A_573, %dma_start3A_576] : memref<2x16xf32, #tpu.memory_space<vmem>> -> memref<1x16xf32, #tpu.memory_space<vmem>>
      %dma_start3A_578 = tpu.memref_squeeze %dma_start3A_577 : memref<1x16xf32, #tpu.memory_space<vmem>> -> memref<16xf32, #tpu.memory_space<vmem>>
      %dma_start3A_579 = arith.constant 0 : i32
      %dma_start3A_580 = arith.constant 0 : i32
      %dma_start3A_581 = tpu.memref_slice %arg5[%run_scoped3A_574, %dma_start3A_579, %dma_start3A_580] : memref<2x32x16xf32, #tpu.memory_space<hbm>> -> memref<1x32x16xf32, #tpu.memory_space<hbm>>
      %dma_start3A_582 = tpu.memref_squeeze %dma_start3A_581 : memref<1x32x16xf32, #tpu.memory_space<hbm>> -> memref<32x16xf32, #tpu.memory_space<hbm>>
      %dma_start3A_583 = arith.constant 0 : i32
      %dma_start3A_584 = tpu.memref_slice %dma_start3A_582[%add3A, %dma_start3A_583] : memref<32x16xf32, #tpu.memory_space<hbm>> -> memref<1x16xf32, #tpu.memory_space<hbm>>
      %dma_start3A_585 = tpu.memref_squeeze %dma_start3A_584 : memref<1x16xf32, #tpu.memory_space<hbm>> -> memref<16xf32, #tpu.memory_space<hbm>>
      %dma_start3A_586 = arith.constant 0 : i32
      %dma_start3A_587 = arith.constant 0 : i32
      %dma_start3A_588 = tpu.memref_slice %arg5[%run_scoped3A_574, %dma_start3A_586, %dma_start3A_587] : memref<2x32x16xf32, #tpu.memory_space<hbm>> -> memref<1x32x16xf32, #tpu.memory_space<hbm>>
      %dma_start3A_589 = tpu.memref_squeeze %dma_start3A_588 : memref<1x32x16xf32, #tpu.memory_space<hbm>> -> memref<32x16xf32, #tpu.memory_space<hbm>>
      %dma_start3A_590 = arith.constant 0 : i32
      %dma_start3A_591 = tpu.memref_slice %dma_start3A_589[%add3A, %dma_start3A_590] : memref<32x16xf32, #tpu.memory_space<hbm>> -> memref<1x16xf32, #tpu.memory_space<hbm>>
      %dma_start3A_592 = tpu.memref_squeeze %dma_start3A_591 : memref<1x16xf32, #tpu.memory_space<hbm>> -> memref<16xf32, #tpu.memory_space<hbm>>
      %dma_start3A_593 = arith.constant 0 : i32
      %dma_start3A_594 = tpu.memref_slice %arg19[%run_scoped3A_573, %dma_start3A_593] : memref<2x16xf32, #tpu.memory_space<vmem>> -> memref<1x16xf32, #tpu.memory_space<vmem>>
      %dma_start3A_595 = tpu.memref_squeeze %dma_start3A_594 : memref<1x16xf32, #tpu.memory_space<vmem>> -> memref<16xf32, #tpu.memory_space<vmem>>
      tpu.enqueue_dma source(%dma_start3A_595 : memref<16xf32, #tpu.memory_space<vmem>>) target(%dma_start3A_592 : memref<16xf32, #tpu.memory_space<hbm>>) target_semaphore(%run_scoped3A_575 : memref<!tpu.dma_semaphore, #tpu.memory_space<semaphore_mem>>)
      %dma_wait3A_596 = arith.constant 0 : i32
      %dma_wait3A_597 = tpu.memref_slice %arg19[%run_scoped3A_573, %dma_wait3A_596] : memref<2x16xf32, #tpu.memory_space<vmem>> -> memref<1x16xf32, #tpu.memory_space<vmem>>
      %dma_wait3A_598 = tpu.memref_squeeze %dma_wait3A_597 : memref<1x16xf32, #tpu.memory_space<vmem>> -> memref<16xf32, #tpu.memory_space<vmem>>
      %dma_wait3A_599 = arith.constant 0 : i32
      %dma_wait3A_600 = arith.constant 0 : i32
      %dma_wait3A_601 = tpu.memref_slice %arg5[%run_scoped3A_574, %dma_wait3A_599, %dma_wait3A_600] : memref<2x32x16xf32, #tpu.memory_space<hbm>> -> memref<1x32x16xf32, #tpu.memory_space<hbm>>
      %dma_wait3A_602 = tpu.memref_squeeze %dma_wait3A_601 : memref<1x32x16xf32, #tpu.memory_space<hbm>> -> memref<32x16xf32, #tpu.memory_space<hbm>>
      %dma_wait3A_603 = arith.constant 0 : i32
      %dma_wait3A_604 = tpu.memref_slice %dma_wait3A_602[%add3A, %dma_wait3A_603] : memref<32x16xf32, #tpu.memory_space<hbm>> -> memref<1x16xf32, #tpu.memory_space<hbm>>
      %dma_wait3A_605 = tpu.memref_squeeze %dma_wait3A_604 : memref<1x16xf32, #tpu.memory_space<hbm>> -> memref<16xf32, #tpu.memory_space<hbm>>
      %dma_wait3A_606 = arith.constant 0 : i32
      %dma_wait3A_607 = arith.constant 0 : i32
      %dma_wait3A_608 = tpu.memref_slice %arg5[%run_scoped3A_574, %dma_wait3A_606, %dma_wait3A_607] : memref<2x32x16xf32, #tpu.memory_space<hbm>> -> memref<1x32x16xf32, #tpu.memory_space<hbm>>
      %dma_wait3A_609 = tpu.memref_squeeze %dma_wait3A_608 : memref<1x32x16xf32, #tpu.memory_space<hbm>> -> memref<32x16xf32, #tpu.memory_space<hbm>>
      %dma_wait3A_610 = arith.constant 0 : i32
      %dma_wait3A_611 = tpu.memref_slice %dma_wait3A_609[%add3A, %dma_wait3A_610] : memref<32x16xf32, #tpu.memory_space<hbm>> -> memref<1x16xf32, #tpu.memory_space<hbm>>
      %dma_wait3A_612 = tpu.memref_squeeze %dma_wait3A_611 : memref<1x16xf32, #tpu.memory_space<hbm>> -> memref<16xf32, #tpu.memory_space<hbm>>
      %dma_wait3A_613 = arith.constant 0 : i32
      %dma_wait3A_614 = tpu.memref_slice %arg19[%run_scoped3A_573, %dma_wait3A_613] : memref<2x16xf32, #tpu.memory_space<vmem>> -> memref<1x16xf32, #tpu.memory_space<vmem>>
      %dma_wait3A_615 = tpu.memref_squeeze %dma_wait3A_614 : memref<1x16xf32, #tpu.memory_space<vmem>> -> memref<16xf32, #tpu.memory_space<vmem>>
      tpu.wait_dma2 semaphore(%run_scoped3A_575 : memref<!tpu.dma_semaphore, #tpu.memory_space<semaphore_mem>>) src(%dma_wait3A_615 : memref<16xf32, #tpu.memory_space<vmem>>) dst(%dma_wait3A_612 : memref<16xf32, #tpu.memory_space<hbm>>)
      tpu.yield
    }) : () -> ()
    return
  }
}

module attributes {stable_mosaic.version = 14 : i64} {
  func.func @_dense_body(%arg0: i32, %arg1: memref<91x8x300xf32, #tpu.memory_space<vmem>>, %arg2: memref<20x64xi32, #tpu.memory_space<vmem>>, %arg3: memref<20x64xi32, #tpu.memory_space<vmem>>, %arg4: memref<1x1xf32, #tpu.memory_space<vmem>>, %arg5: memref<64x300xi32, #tpu.memory_space<vmem>>) attributes {dimension_semantics = [#tpu.dimension_semantics<arbitrary>], iteration_bounds = array<i64: 8>, scalar_prefetch = 0 : i64, scratch_operands = 1 : i64, tpu.core_type = #tpu.core_type<tc>, window_params = [{transform_indices = @transform_0, window_bounds = array<i64: 91, 8, 300>}, {pipeline_mode = #tpu.pipeline_mode<synchronous>, transform_indices = @transform_1, window_bounds = array<i64: 20, 64>}, {pipeline_mode = #tpu.pipeline_mode<synchronous>, transform_indices = @transform_2, window_bounds = array<i64: 20, 64>}, {pipeline_mode = #tpu.pipeline_mode<synchronous>, transform_indices = @transform_3, window_bounds = array<i64: 1, 1>}]} {
    %eq3A = arith.constant 0 : i32
    %eq3A_0 = arith.cmpi eq, %arg0, %eq3A : i32
    %convert_element_type3A = arith.extui %eq3A_0 : i1 to i32
    %cond3A = arith.constant 0 : i32
    %cond3A_1 = arith.cmpi ne, %convert_element_type3A, %cond3A : i32
    scf.if %cond3A_1 {
      %broadcast_in_dim3A_93 = arith.constant 0.000000e+00 : f32
      %broadcast_in_dim3A_94 = vector.broadcast %broadcast_in_dim3A_93 : f32 to vector<1x1xf32>
      %swap3A_95 = arith.constant 0 : index
      %swap3A_96 = arith.constant 0 : index
      %swap3A_97 = vector.load %arg4[%swap3A_95, %swap3A_96] : memref<1x1xf32, #tpu.memory_space<vmem>>, vector<1x1xf32>
      tpu.vector_store %arg4[%swap3A_95, %swap3A_96], %broadcast_in_dim3A_94 {strides = array<i32>} : memref<1x1xf32, #tpu.memory_space<vmem>>, vector<1x1xf32>,
      %get3A_98 = arith.constant 0 : index
      %get3A_99 = arith.constant 0 : index
      %get3A_100 = vector.load %arg2[%get3A_98, %get3A_99] : memref<20x64xi32, #tpu.memory_space<vmem>>, vector<20x64xi32>
      %get3A_101 = arith.constant 0 : index
      %get3A_102 = arith.constant 0 : index
      %get3A_103 = vector.load %arg3[%get3A_101, %get3A_102] : memref<20x64xi32, #tpu.memory_space<vmem>>, vector<20x64xi32>
      %iota3A_104 = tpu.iota {dimensions = array<i32: 2>} : vector<20x64x300xi32>
      %broadcast_in_dim3A_105 = vector.shape_cast %get3A_100 : vector<20x64xi32> to vector<20x64x1xi32>
      %eq3A_106 = vector.broadcast %broadcast_in_dim3A_105 : vector<20x64x1xi32> to vector<20x64x300xi32>
      %eq3A_107 = arith.cmpi eq, %eq3A_106, %iota3A_104 : vector<20x64x300xi32>
      %iota3A_108 = tpu.iota {dimensions = array<i32: 0>} : vector<20x64xi32>
      %mul3A_109 = arith.constant 128 : i32
      %mul3A_110 = vector.broadcast %mul3A_109 : i32 to vector<20x64xi32>
      %mul3A_111 = arith.muli %iota3A_108, %mul3A_110 : vector<20x64xi32>
      %add3A_112 = arith.addi %mul3A_111, %get3A_103 : vector<20x64xi32>
      %broadcast_in_dim3A_113 = vector.shape_cast %add3A_112 : vector<20x64xi32> to vector<20x64x1xi32>
      %jit3A_114 = arith.constant -1 : i32
      %broadcast_in_dim3A_115 = vector.shape_cast %broadcast_in_dim3A_113 : vector<20x64x1xi32> to vector<20x64x1xi32>
      %broadcast_in_dim3A_116 = vector.broadcast %broadcast_in_dim3A_115 : vector<20x64x1xi32> to vector<20x64x300xi32>
      %broadcast_in_dim3A_117 = vector.broadcast %jit3A_114 : i32 to vector<20x64x300xi32>
      %select_n3A_118 = arith.select %eq3A_107, %broadcast_in_dim3A_116, %broadcast_in_dim3A_117 : vector<20x64x300xi1>, vector<20x64x300xi32>
      %reduce_max3A = arith.constant dense<-2147483648> : vector<64x300xi32>
      %reduce_max3A_119 = vector.multi_reduction <maxsi>, %select_n3A_118, %reduce_max3A [0] : vector<20x64x300xi32> to vector<64x300xi32>
      %ge3A_120 = arith.constant 0 : i32
      %ge3A_121 = vector.broadcast %ge3A_120 : i32 to vector<64x300xi32>
      %ge3A_122 = arith.cmpi sge, %reduce_max3A_119, %ge3A_121 : vector<64x300xi32>
      %and3A = arith.constant 127 : i32
      %and3A_123 = vector.broadcast %and3A : i32 to vector<64x300xi32>
      %and3A_124 = arith.andi %reduce_max3A_119, %and3A_123 : vector<64x300xi32>
      %jit3A_125 = arith.constant 91 : i32
      %broadcast_in_dim3A_126 = vector.broadcast %jit3A_125 : i32 to vector<64x300xi32>
      %select_n3A_127 = arith.select %ge3A_122, %and3A_124, %broadcast_in_dim3A_126 : vector<64x300xi1>, vector<64x300xi32>
      %swap3A_128 = arith.constant 0 : index
      %swap3A_129 = arith.constant 0 : index
      %swap3A_130 = vector.load %arg5[%swap3A_128, %swap3A_129] : memref<64x300xi32, #tpu.memory_space<vmem>>, vector<64x300xi32>
      tpu.vector_store %arg5[%swap3A_128, %swap3A_129], %select_n3A_127 {strides = array<i32>} : memref<64x300xi32, #tpu.memory_space<vmem>>, vector<64x300xi32>,
    } else {
    }
    %get3A = arith.constant 0 : index
    %get3A_2 = arith.constant 0 : index
    %get3A_3 = arith.constant 0 : index
    %get3A_4 = vector.load %arg1[%get3A, %get3A_2, %get3A_3] : memref<91x8x300xf32, #tpu.memory_space<vmem>>, vector<91x8x300xf32>
    %mul3A = arith.constant 8 : i32
    %mul3A_5 = arith.muli %arg0, %mul3A : i32
    %multiple_of3A = tpu.assume_multiple %mul3A_5, 8 : i32
    %get3A_6 = arith.index_cast %multiple_of3A : i32 to index
    %get3A_7 = arith.constant 0 : index
    %get3A_8 = vector.load %arg5[%get3A_6, %get3A_7] : memref<64x300xi32, #tpu.memory_space<vmem>>, vector<8x300xi32>
    %iota3A = tpu.iota {dimensions = array<i32: 0>} : vector<91x8x300xi32>
    %broadcast_in_dim3A = vector.shape_cast %get3A_8 : vector<8x300xi32> to vector<1x8x300xi32>
    %eq3A_9 = vector.broadcast %broadcast_in_dim3A : vector<1x8x300xi32> to vector<91x8x300xi32>
    %eq3A_10 = arith.cmpi eq, %iota3A, %eq3A_9 : vector<91x8x300xi32>
    %abs3A = math.absf %get3A_4 : vector<91x8x300xf32>
    %neg3A = arith.constant 0.000000e+00 : f32
    %neg3A_11 = vector.broadcast %neg3A : f32 to vector<91x8x300xf32>
    %neg3A_12 = arith.subf %neg3A_11, %abs3A : vector<91x8x300xf32>
    %exp3A = math.exp %neg3A_12 : vector<91x8x300xf32>
    %add3A = arith.constant 1.000000e+00 : f32
    %add3A_13 = vector.broadcast %add3A : f32 to vector<91x8x300xf32>
    %add3A_14 = arith.addf %add3A_13, %exp3A : vector<91x8x300xf32>
    %log3A = math.log %add3A_14 : vector<91x8x300xf32>
    %max3A = arith.constant 0.000000e+00 : f32
    %max3A_15 = vector.broadcast %max3A : f32 to vector<91x8x300xf32>
    %max3A_16 = arith.maximumf %get3A_4, %max3A_15 : vector<91x8x300xf32>
    %add3A_17 = arith.addf %max3A_16, %log3A : vector<91x8x300xf32>
    %div3A = arith.constant 1.000000e+00 : f32
    %div3A_18 = vector.broadcast %div3A : f32 to vector<91x8x300xf32>
    %div3A_19 = arith.divf %div3A_18, %add3A_14 : vector<91x8x300xf32>
    %ge3A = arith.constant 0.000000e+00 : f32
    %ge3A_20 = vector.broadcast %ge3A : f32 to vector<91x8x300xf32>
    %ge3A_21 = arith.cmpf oge, %get3A_4, %ge3A_20 : vector<91x8x300xf32>
    %sub3A = arith.constant 1.000000e+00 : f32
    %sub3A_22 = vector.broadcast %sub3A : f32 to vector<91x8x300xf32>
    %sub3A_23 = arith.subf %sub3A_22, %div3A_19 : vector<91x8x300xf32>
    %select_n3A = arith.select %ge3A_21, %div3A_19, %sub3A_23 : vector<91x8x300xi1>, vector<91x8x300xf32>
    %mul3A_24 = arith.mulf %select_n3A, %add3A_17 : vector<91x8x300xf32>
    %mul3A_25 = arith.mulf %select_n3A, %mul3A_24 : vector<91x8x300xf32>
    %reduce_sum3A = vector.shape_cast %mul3A_25 : vector<91x8x300xf32> to vector<1x91x8x300xf32>
    %reduce_sum3A_26 = arith.constant dense<0.000000e+00> : vector<1xf32>
    %reduce_sum3A_27 = vector.multi_reduction <add>, %reduce_sum3A, %reduce_sum3A_26 [1, 2, 3] : vector<1x91x8x300xf32> to vector<1xf32>
    %reduce_sum3A_28 = vector.shape_cast %reduce_sum3A_27 : vector<1xf32> to vector<1x1x1x1xf32>
    %reduce_sum3A_29 = vector.extract %reduce_sum3A_28[0, 0, 0, 0] : f32 from vector<1x1x1x1xf32>
    %jit3A = arith.constant 0.000000e+00 : f32
    %broadcast_in_dim3A_30 = vector.broadcast %jit3A : f32 to vector<91x8x300xf32>
    %select_n3A_31 = arith.select %eq3A_10, %get3A_4, %broadcast_in_dim3A_30 : vector<91x8x300xi1>, vector<91x8x300xf32>
    %reduce_sum3A_32 = arith.constant dense<0.000000e+00> : vector<8x300xf32>
    %reduce_sum3A_33 = vector.multi_reduction <add>, %select_n3A_31, %reduce_sum3A_32 [0] : vector<91x8x300xf32> to vector<8x300xf32>
    %abs3A_34 = math.absf %reduce_sum3A_33 : vector<8x300xf32>
    %neg3A_35 = arith.constant 0.000000e+00 : f32
    %neg3A_36 = vector.broadcast %neg3A_35 : f32 to vector<8x300xf32>
    %neg3A_37 = arith.subf %neg3A_36, %abs3A_34 : vector<8x300xf32>
    %exp3A_38 = math.exp %neg3A_37 : vector<8x300xf32>
    %add3A_39 = arith.constant 1.000000e+00 : f32
    %add3A_40 = vector.broadcast %add3A_39 : f32 to vector<8x300xf32>
    %add3A_41 = arith.addf %add3A_40, %exp3A_38 : vector<8x300xf32>
    %log3A_42 = math.log %add3A_41 : vector<8x300xf32>
    %max3A_43 = arith.constant 0.000000e+00 : f32
    %max3A_44 = vector.broadcast %max3A_43 : f32 to vector<8x300xf32>
    %max3A_45 = arith.maximumf %reduce_sum3A_33, %max3A_44 : vector<8x300xf32>
    %add3A_46 = arith.addf %max3A_45, %log3A_42 : vector<8x300xf32>
    %div3A_47 = arith.constant 1.000000e+00 : f32
    %div3A_48 = vector.broadcast %div3A_47 : f32 to vector<8x300xf32>
    %div3A_49 = arith.divf %div3A_48, %add3A_41 : vector<8x300xf32>
    %ge3A_50 = arith.constant 0.000000e+00 : f32
    %ge3A_51 = vector.broadcast %ge3A_50 : f32 to vector<8x300xf32>
    %ge3A_52 = arith.cmpf oge, %reduce_sum3A_33, %ge3A_51 : vector<8x300xf32>
    %sub3A_53 = arith.constant 1.000000e+00 : f32
    %sub3A_54 = vector.broadcast %sub3A_53 : f32 to vector<8x300xf32>
    %sub3A_55 = arith.subf %sub3A_54, %div3A_49 : vector<8x300xf32>
    %select_n3A_56 = arith.select %ge3A_52, %div3A_49, %sub3A_55 : vector<8x300xi1>, vector<8x300xf32>
    %sub3A_57 = arith.constant 1.000000e+00 : f32
    %sub3A_58 = vector.broadcast %sub3A_57 : f32 to vector<8x300xf32>
    %sub3A_59 = arith.subf %sub3A_58, %select_n3A_56 : vector<8x300xf32>
    %mul3A_60 = arith.constant 2.500000e-01 : f32
    %mul3A_61 = vector.broadcast %mul3A_60 : f32 to vector<8x300xf32>
    %mul3A_62 = arith.mulf %mul3A_61, %sub3A_59 : vector<8x300xf32>
    %mul3A_63 = arith.mulf %mul3A_62, %sub3A_59 : vector<8x300xf32>
    %sub3A_64 = arith.subf %add3A_46, %reduce_sum3A_33 : vector<8x300xf32>
    %mul3A_65 = arith.mulf %mul3A_63, %sub3A_64 : vector<8x300xf32>
    %mul3A_66 = arith.constant 7.500000e-01 : f32
    %mul3A_67 = vector.broadcast %mul3A_66 : f32 to vector<8x300xf32>
    %mul3A_68 = arith.mulf %mul3A_67, %select_n3A_56 : vector<8x300xf32>
    %mul3A_69 = arith.mulf %mul3A_68, %select_n3A_56 : vector<8x300xf32>
    %mul3A_70 = arith.mulf %mul3A_69, %add3A_46 : vector<8x300xf32>
    %sub3A_71 = arith.subf %mul3A_65, %mul3A_70 : vector<8x300xf32>
    %lt3A = arith.constant 91 : i32
    %lt3A_72 = vector.broadcast %lt3A : i32 to vector<8x300xi32>
    %lt3A_73 = arith.cmpi slt, %get3A_8, %lt3A_72 : vector<8x300xi32>
    %jit3A_74 = arith.constant 0.000000e+00 : f32
    %broadcast_in_dim3A_75 = vector.broadcast %jit3A_74 : f32 to vector<8x300xf32>
    %select_n3A_76 = arith.select %lt3A_73, %sub3A_71, %broadcast_in_dim3A_75 : vector<8x300xi1>, vector<8x300xf32>
    %get3A_77 = arith.constant 0 : index
    %get3A_78 = arith.constant 0 : index
    %get3A_79 = vector.load %arg4[%get3A_77, %get3A_78] : memref<1x1xf32, #tpu.memory_space<vmem>>, vector<1x1xf32>
    %mul3A_80 = arith.constant 7.500000e-01 : f32
    %mul3A_81 = arith.mulf %mul3A_80, %reduce_sum3A_29 : f32
    %reduce_sum3A_82 = vector.shape_cast %select_n3A_76 : vector<8x300xf32> to vector<1x8x300xf32>
    %reduce_sum3A_83 = arith.constant dense<0.000000e+00> : vector<1xf32>
    %reduce_sum3A_84 = vector.multi_reduction <add>, %reduce_sum3A_82, %reduce_sum3A_83 [1, 2] : vector<1x8x300xf32> to vector<1xf32>
    %reduce_sum3A_85 = vector.shape_cast %reduce_sum3A_84 : vector<1xf32> to vector<1x1x1xf32>
    %reduce_sum3A_86 = vector.extract %reduce_sum3A_85[0, 0, 0] : f32 from vector<1x1x1xf32>
    %add3A_87 = arith.addf %mul3A_81, %reduce_sum3A_86 : f32
    %mul3A_88 = arith.constant 7.812500e-04 : f32
    %mul3A_89 = arith.mulf %add3A_87, %mul3A_88 : f32
    %reshape3A = vector.broadcast %mul3A_89 : f32 to vector<1x1xf32>
    %add3A_90 = arith.addf %get3A_79, %reshape3A : vector<1x1xf32>
    %swap3A = arith.constant 0 : index
    %swap3A_91 = arith.constant 0 : index
    %swap3A_92 = vector.load %arg4[%swap3A, %swap3A_91] : memref<1x1xf32, #tpu.memory_space<vmem>>, vector<1x1xf32>
    tpu.vector_store %arg4[%swap3A, %swap3A_91], %add3A_90 {strides = array<i32>} : memref<1x1xf32, #tpu.memory_space<vmem>>, vector<1x1xf32>,
    return
  }
  func.func @transform_0(%arg0: i32) -> (i32, i32, i32) {
    %c0_i32 = arith.constant 0 : i32
    %c0_i32_0 = arith.constant 0 : i32
    %c0_i32_1 = arith.constant 0 : i32
    return %c0_i32, %arg0, %c0_i32_0 : i32, i32, i32
  }
  func.func @transform_1(%arg0: i32) -> (i32, i32) {
    %c0_i32 = arith.constant 0 : i32
    %c0_i32_0 = arith.constant 0 : i32
    %c0_i32_1 = arith.constant 0 : i32
    return %c0_i32, %c0_i32_0 : i32, i32
  }
  func.func @transform_2(%arg0: i32) -> (i32, i32) {
    %c0_i32 = arith.constant 0 : i32
    %c0_i32_0 = arith.constant 0 : i32
    %c0_i32_1 = arith.constant 0 : i32
    return %c0_i32, %c0_i32_0 : i32, i32
  }
  func.func @transform_3(%arg0: i32) -> (i32, i32) {
    %c0_i32 = arith.constant 0 : i32
    %c0_i32_0 = arith.constant 0 : i32
    %c0_i32_1 = arith.constant 0 : i32
    return %c0_i32, %c0_i32_0 : i32, i32
  }
}

</mosaic_0001>

<sc_bundles>
// kernel: kernel.4.cloned.1.call-start
scs
__scs_entry_jumppad:
0x0: {  	(pc) =	sbr.rel $0x88, $3  }
0x1: {  	(tag) =	ssettag $0x0;
	lr =	simm.s32 $0x1  }
0x2: {  	[smem:$0x3F9C] =	sst lr;
	_ =	strace $0xD0000000  }
0x3: {  	_ = 	snop  }
0x4: {  	_ = 	snop  }
0x5: {  	_ = 	snop  }
0x6: {  	_ = 	snop  }
0x7: {  	_ = 	snop  }
__scs_overlays_trampoline_lowered:
0x8: {  	[smem:$0x3FAB] =	sst s0  }
0x9: {  	[smem:$0x3FAC] =	sst s1  }
0xa: {  	[smem:$0x3FAD] =	sst s2  }
0xb: {  	[smem:$0x3FAE] =	sst s3  }
0xc: {  	[smem:$0x3FAF] =	sst s4  }
0xd: {  	[smem:$0x3FB0] =	sst s5  }
0xe: {  	[smem:$0x3FB1] =	sst s6  }
0xf: {  	[smem:$0x3FB2] =	sst s7  }
0x10: {  	[smem:$0x3FB3] =	sst s8  }
0x11: {  	[smem:$0x3FB4] =	sst s9;
	s0 =	simm.s32 @!p0 $0x0  }
0x12: {  	s1 =	sld [smem:$0x3F9A];
	s0 =	simm.s32 @p0 $0x1  }
0x13: {  	[smem:$0x3FB5] =	sst s0;
	s0 =	simm.s32 @!p1 $0x0  }
0x14: {  	s2 =	sld [smem:$0x3F99];
	s0 =	simm.s32 @p1 $0x1  }
0x15: {  	[smem:$0x3FB6] =	sst s0;
	s0 =	simm.s32 @!p2 $0x0  }
0x16: {  	s3 =	sld [smem:$0x3FDB];
	s0 =	simm.s32 @p2 $0x1  }
0x17: {  	s4 =	simm.s32 $0x1BF5;
	[smem:$0x3FB8] =	sst s0  }
0x18: {  	s0 =	sld [smem:$0x3F9B];
	_ =	swait.ge [sflag:s4], $0x0  }
0x19: {  	s7 =	sld [smem:$0x3F9C]  }
0x1a: {  	s8 =	sadd.s32 $0xFFFFE003, lr  }
0x1b: {  	s9 =	sadd.s32 $0xFFFFFEF7, lr;
	s5 =	simm.s32 $0xFFFFFFFF;
	p2 =	slt.u32 s8, $0xFFFFF086  }
0x1c: {  	p1 =	slt.u32 s9, $0xF7A;
	s5 =	simm.s32 @!p2 $0x0  }
0x1d: {  	s5 =	simm.s32 @p1 $0x1;
	p0 =	seq.s32 s7, s2  }
0x1e: {  	s7 =	smul.u32 @!p0 $0xF7A, s2;
	p2 =	seq.s32 @!p0 s5, $0x0  }
0x1f: {  	s9 =	smul.u32 $0xF7A, s1;
	s8 =	simm.s32 @!p0 $0x1BF5;
	p2 =	por !p2, p0  }
0x20: {  	[sflag:s8] =	ssyncset.s32 @!p0 $0xFFFFF086;
	s6 =	sadd.s32 @!p0 s3, s7;
	s7 =	simm.s32 @!p0 $0x108  }
0x21: {  	s3 =	sadd.s32 s3, s9;
	s6 =	sadd.s32 @!p0 $0x88, s6;
	s7 =	simm.s32 @p2 $0x1082  }
0x22: {  	[simem:s7], [sflag:s8] =	dma.local @!p0 [hbm:s6], $0xF7A  }
0x23: {  	s9 =	sor.u32 $0xD0000000, s2;
	s6 =	simm.s32 $0x108;
	_ =	swait.ge @!p0 [sflag:s8], $0x0  }
0x24: {  	s3 =	sadd.s32 $0x88, s3;
	s6 =	simm.s32 @!p1 $0x1082;
	[sflag:s4] =	ssyncset.s32 $0xFFFFF086  }
0x25: {  	[simem:s6], [sflag:s4] =	dma.local [hbm:s3], $0xF7A  }
0x26: {  	[smem:$0x3F9C] =	sst s1;
	(tag) =	ssettag s2;
	_ =	strace s9  }
0x27: {  	s1 =	sld [smem:$0x3FAC]  }
0x28: {  	s2 =	sld [smem:$0x3FAD]  }
0x29: {  	s4 =	sld [smem:$0x3FAF]  }
0x2a: {  	p0 =	seq.s32 s5, $0x0;
	s5 =	sld [smem:$0x3FB0]  }
0x2b: {  	s6 =	sld [smem:$0x3FB1]  }
0x2c: {  	s7 =	sld [smem:$0x3FB2]  }
0x2d: {  	s3 =	simm.s32 $0x108;
	s8 =	sld [smem:$0x3FB3]  }
0x2e: {  	s3 =	simm.s32 @!p0 $0x1082;
	s9 =	sld [smem:$0x3FB4]  }
0x2f: {  	lr =	sadd.s32 s0, s3;
	s0 =	sld [smem:$0x3FAB]  }
0x30: {  	s3 =	sld [smem:$0x3FAE]  }
0x31: {  	[smem:$0x3FB7] =	sst s10  }
0x32: {  	s10 =	sld [smem:$0x3FB5];
	_ =	sdelay $0x3  }
0x33: {  	p0 =	seq.s32 s10, $0x1;
	s10 =	sld [smem:$0x3FB7];
	_ =	sdelay $0x3  }
0x34: {  	[smem:$0x3FB7] =	sst s10  }
0x35: {  	s10 =	sld [smem:$0x3FB6];
	_ =	sdelay $0x3  }
0x36: {  	p1 =	seq.s32 s10, $0x1;
	s10 =	sld [smem:$0x3FB7];
	_ =	sdelay $0x3  }
0x37: {  	[smem:$0x3FB7] =	sst s10  }
0x38: {  	s10 =	sld [smem:$0x3FB8]  }
0x39: {  	_ = 	snop;
	(pc) =	sbr.ind lr, $3  }
0x3a: {  	_ = 	snop  }
0x3b: {  	_ = 	snop  }
0x3c: {  	p2 =	seq.s32 s10, $0x1;
	s10 =	sld [smem:$0x3FB7]  }
0x3d: {  	_ =	shalt  }
0x3e: {  	_ =	shalt  }
0x3f: {  	_ =	shalt  }
0x40: {  	_ =	shalt  }
0x41: {  	_ =	shalt  }
0x42: {  	_ =	shalt  }
0x43: {  	_ =	shalt  }
0x44: {  	_ =	shalt  }
0x45: {  	_ =	shalt  }
0x46: {  	_ =	shalt  }
0x47: {  	_ =	shalt  }
0x48: {  	_ =	shalt  }
0x49: {  	_ =	shalt  }
0x4a: {  	_ =	shalt  }
0x4b: {  	_ =	shalt  }
0x4c: {  	_ =	shalt  }
0x4d: {  	_ =	shalt  }
0x4e: {  	_ =	shalt  }
0x4f: {  	_ =	shalt  }
0x50: {  	_ =	shalt  }
0x51: {  	_ =	shalt  }
0x52: {  	_ =	shalt  }
0x53: {  	_ =	shalt  }
0x54: {  	_ =	shalt  }
0x55: {  	_ =	shalt  }
0x56: {  	_ =	shalt  }
0x57: {  	_ =	shalt  }
0x58: {  	_ =	shalt  }
0x59: {  	_ =	shalt  }
0x5a: {  	_ =	shalt  }
0x5b: {  	_ =	shalt  }
0x5c: {  	_ =	shalt  }
0x5d: {  	_ =	shalt  }
0x5e: {  	_ =	shalt  }
0x5f: {  	_ =	shalt  }
0x60: {  	_ =	shalt  }
0x61: {  	_ =	shalt  }
0x62: {  	_ =	shalt  }
0x63: {  	_ =	shalt  }
0x64: {  	_ =	shalt  }
0x65: {  	_ =	shalt  }
0x66: {  	_ =	shalt  }
0x67: {  	_ =	shalt  }
0x68: {  	_ =	shalt  }
0x69: {  	_ =	shalt  }
0x6a: {  	_ =	shalt  }
0x6b: {  	_ =	shalt  }
0x6c: {  	_ =	shalt  }
0x6d: {  	_ =	shalt  }
0x6e: {  	_ =	shalt  }
0x6f: {  	_ =	shalt  }
0x70: {  	_ =	shalt  }
0x71: {  	_ =	shalt  }
0x72: {  	_ =	shalt  }
0x73: {  	_ =	shalt  }
0x74: {  	_ =	shalt  }
0x75: {  	_ =	shalt  }
0x76: {  	_ =	shalt  }
0x77: {  	_ =	shalt  }
0x78: {  	_ =	shalt  }
0x79: {  	_ =	shalt  }
0x7a: {  	_ =	shalt  }
0x7b: {  	_ =	shalt  }
0x7c: {  	_ =	shalt  }
0x7d: {  	_ =	shalt  }
0x7e: {  	_ =	shalt  }
0x7f: {  	_ =	shalt  }
0x80: {  	_ =	shalt  }
0x81: {  	_ =	shalt  }
0x82: {  	_ =	shalt  }
0x83: {  	_ =	shalt  }
0x84: {  	_ =	shalt  }
0x85: {  	_ =	shalt  }
0x86: {  	_ =	shalt  }
0x87: {  	_ =	shalt  }
.Lfunc_end0:
.L_simem_size_0:
called_computation_lowered:
.L_overlay_start_0:
0x88: {  	s2 =	sld [smem:$0x3FD9]  }
0x89: {  	s3 =	sld [smem:$0x3FFE];
	_ =	sdelay $0x1  }
0x8a: {  	s1 =	srdreg.scid  }
0x8b: {  	s0 =	sand.u32 $0x1, s1  }
0x8c: {  	s16 =	sshll.u32 s0, $0xA;
	s2 =	sadd.s32 s3, s2  }
0x8d: {  	s2 =	sadd.s32 s2, s16  }
0x8e: {  	[smem:$0x3FC3] =	sst s2  }
0x8f: {  	_ = 	snop  }
0x90: {  	(tm) =	ssettm $0x1  }
0x91: {  	s17 =	sld [smem:$0x3FFB];
	_ =	sdelay $0x3  }
0x92: {  	_ =	strace s17  }
0x93: {  	s2 =	sld [smem:$0x3FFC];
	_ =	sdelay $0x3  }
0x94: {  	_ =	strace s2  }
0x95: {  	s2 =	sld [smem:$0x3FFD];
	_ =	sdelay $0x3  }
0x96: {  	_ =	strace s2  }
0x97: {  	_ =	strace $0x8FFFFFFF  }
0x98: {  	s18 =	sld [smem:$0x3FDB];
	_ =	sdelay $0x1  }
0x99: {  	s19 =	simm.s32 $_scs_section_size  }
0x9a: {  	s4 =	simm.s32 $_size__tile_overlayer_lowered;
	s5 =	simm.s32 $_tile_overlayer_lowered  }
0x9b: {  	s22 =	simm.s32 $0x1BFF;
	s21 =	sshll.u32 s5, $0x1;
	s2 =	sadd.s32 s19, s18  }
0x9c: {  	s6 =	simm.s32 $0x0;
	s20 =	sshll.u32 s4, $0x1;
	s4 =	sadd.s32 s21, s2  }
0x9d: {  	[timem:s6], [sflag:s22] =	dma.local [hbm:s4], s20  }
0x9e: {  	_ =	swait.ge [sflag:s22], s20  }
0x9f: {  	s3 =	ssub.s32 $0x0, s20;
	[sflag:s22] =	ssyncset.done $0x0  }
0xa0: {  	[sflag:s22] =	ssyncadd.s32 s3;
	_ =	sdelay $0x1  }
0xa1: {  	s23 =	simm.s32 $0x1B8B  }
0xa2: {  	_ =	swait.ge [sflag:s23], $0x1  }
0xa3: {  	[sflag:s23] =	ssyncset.done $0x0  }
0xa4: {  	s25 =	simm.s32 $0x1B8E;
	s24 =	sld [smem:$0x3FFE];
	[sflag:s23] =	ssyncadd.s32 $0xFFFFFFFF  }
0xa5: {  	s26 =	simm.s32 $execute0_lowered;
	[smem:$0x3FD2] =	sst s25  }
0xa6: {  	s4 =	sshll.u32 s26, $0x1;
	_ =	strace $0x80000046;
	[dreg:$0x1] =	wrdreg $0xFFFFFFFF  }
0xa7: {  	s28 =	simm.s32 $_size_execute0_lowered;
	s2 =	sadd.s32 s2, s4;
	[dreg:$0x0] =	wrdreg $0x0  }
0xa8: {  	s4 =	sshll.u32 s28, $0x1;
	[dreg:$0x2] =	wrdreg s2  }
0xa9: {  	[dreg:$0x3] =	wrdreg s4  }
0xaa: {  	[dreg:$0x4] =	wrdreg $0xC0  }
0xab: {  	_ =	task [dreg:s6], $0x5FFFF  }
0xac: {  	[dreg:$0x1] =	wrdreg $0xFFFFFFFF  }
0xad: {  	[dreg:$0x0] =	wrdreg $0x60  }
0xae: {  	[dreg:$0x2] =	wrdreg s24  }
0xaf: {  	[dreg:$0x3] =	wrdreg $0x9  }
0xb0: {  	_ =	task.clear_ibuf [dreg:s6], $0x4FFFF;
	_ =	strace $0x90000046  }
0xb1: {  	s29 =	simm.s32 $0x9;
	_ =	strace $0x80000048  }
0xb2: {  	_ =	swait.ge [sflag:s29], $0x1  }
0xb3: {  	[sflag:s29] =	ssyncadd.s32 $0xFFFFFFFF  }
0xb4: {  	_ =	strace $0x90000048  }
0xb5: {  	_ =	sfence  }
0xb6: {  	s30 =	sld [smem:$0x0];
	_ =	sdelay $0x2  }
0xb7: {  	s31 =	sshll.u32 s1, $0xD;
	s1 =	sshrl.u32 s1, $0x2  }
0xb8: {  	s3 =	sand.u32 $0x4000, s31;
	s1 =	sadd.s32 s1, s30  }
0xb9: {  	s0 =	sor.u32 s3, s0;
	s1 =	sshll.u32 s1, $0x11  }
0xba: {  	s0 =	sor.u32 s1, s0  }
0xbb: {  	s0 =	sadd.s32 $0x8F2B, s0  }
0xbc: {  	[sflag:s0] =	ssyncadd.remote.s32 $0x1  }
0xbd: {  	_ =	sfence.sel $0xFFFF  }
0xbe: {  	[dreg:$0x0] =	wrdreg $0xFFFFFFFF;
	(pc) =	sbr.abs _section_cstart, $3  }
0xbf: {  	[dreg:$0x1] =	wrdreg $0xFFFFFFFF  }
0xc0: {  	_ =	task.clear_ibuf [dreg:s6], $0x2FFFF;
	_ =	strace $0x9FFFFFFF  }
0xc1: {  	(tm) =	ssettm $0x7FFFFFFF  }
tec
execute0_lowered:
.L_overlay_start_1:
0x0: {  	(tag) =	ssettag $0x1  }
0x1: {  	s1 =	srdreg.scid  }
0x2: {  	s0 =	stileid.u32;
	s10 =	rddreg [dreg:$0x0];
	s2 =	simm.s32 $0x0  }
0x3: {  	s13 =	simm.s32 $0x500;
	s14 =	simm.s32 $0x580;
	s15 =	simm.s32 $0x600  }
0x4: {  	s16 =	simm.s32 $0x30;
	s18 =	simm.s32 $0x280;
	s19 =	simm.s32 $0x1  }
0x5: {  	s20 =	simm.s32 $0x100;
	s21 =	simm.s32 $0x300;
	s22 =	simm.s32 $0x180  }
0x6: {  	s23 =	simm.s32 $0x380;
	s26 =	simm.s32 $0x400;
	s28 =	simm.s32 $0x680  }
0x7: {  	s29 =	simm.s32 $0x700;
	s4 =	sand.u32 $0x1, s1;
	s1 =	rddreg [dreg:$0x1]  }
0x8: {  	s3 =	sshll.u32 s0, $0x1;
	[smem:$0x7FF] =	sst s2;
	s25 =	sadd.s32 $0x3000, s10  }
0x9: {  	s9 =	sor.u32 s4, s3;
	_ =	strace $0x80000047;
	s3 =	sadd.s32 $0x200, s10  }
0xa: {  	s4 =	ssub.s32 $0x2, s4;
	s5 =	smul.u32 $0x28, s9;
	s24 =	sshll.u32 s9, $0x4  }
0xb: {  	s6 =	sshrl.u32 s4, $0x1;
	s17 =	sshll.u32 s9, $0x1;
	s11 =	sadd.s32 s24, s10  }
0xc: {  	s12 =	ssub.s32 s4, s6;
	v0 =	vmov s17;
	s17 =	simm.s32 $0x80;
	s24 =	sadd.s32 s24, s25  }
0xd: {  	s25 =	simm.s32 $0x200;
	s5 =	sshrl.u32 s5, $0x3;
	s9 =	sadd.s32 $0x2E00, s11  }
0xe: {  	vm0 =	vcmask $0xF00;
	v1 =	vimm.s32 $0x12C;
	s11 =	simm.s32 $0x2;
	v0 =	vmul.u32 $0x12C, v0;
	s8 =	sadd.s32 s5, s10;
	s10 =	smax.u32 s12, $0x1  }
0xf: {  	v1 =	vsel vm0, $0x0, v1;
	s12 =	simm.s32 $0x480;
	s4 =	sadd.s32 $0x2C00, s8;
	s5 =	sadd.s32 $0x2800, s8  }
0x10: {  	vm0 =	vmmov $0xff;
	s6 =	sadd.s32 $0x28A0, s8;
	s7 =	sadd.s32 $0x2940, s8;
	s8 =	sadd.s32 $0x29E0, s8;
	v1 =	vadd.s32 v1, v0;
	v2 =	vadd.s32 $0x12C, v0  }
.LBB2_1:
0x11: {  	[tilespmem:s2], [sflag:$0x2] =	stream.linear.gather [hbm4b:s4+s2], $0x28, $0x38;
	[tilespmem:$0x780] =	vst v63  }
0x12: {  	_ =	swait.ge [sflag:s11], $0x28  }
0x13: {  	[sflag:s11] =	ssyncset.done $0x0  }
0x14: {  	[sflag:s11] =	ssyncadd.s32 $0xFFFFFFD8  }
0x15: {  	[tilespmem:s12], [sflag:$0x2] =	stream.linear.gather [hbm4b:s5+s2], $0x28, $0x38;
	[tilespmem:$0x780] =	vst v63  }
0x16: {  	_ =	swait.ge [sflag:s11], $0x28  }
0x17: {  	[sflag:s11] =	ssyncset.done $0x0  }
0x18: {  	[sflag:s11] =	ssyncadd.s32 $0xFFFFFFD8  }
0x19: {  	[tilespmem:s13], [sflag:$0x2] =	stream.linear.gather [hbm4b:s6+s2], $0x28, $0x38;
	[tilespmem:$0x780] =	vst v63  }
0x1a: {  	_ =	swait.ge [sflag:s11], $0x28  }
0x1b: {  	[sflag:s11] =	ssyncset.done $0x0  }
0x1c: {  	[sflag:s11] =	ssyncadd.s32 $0xFFFFFFD8  }
0x1d: {  	[tilespmem:s14], [sflag:$0x2] =	stream.linear.gather [hbm4b:s7+s2], $0x28, $0x38;
	[tilespmem:$0x780] =	vst v63  }
0x1e: {  	_ =	swait.ge [sflag:s11], $0x28  }
0x1f: {  	[sflag:s11] =	ssyncset.done $0x0  }
0x20: {  	[sflag:s11] =	ssyncadd.s32 $0xFFFFFFD8  }
0x21: {  	[tilespmem:s15], [sflag:$0x2] =	stream.linear.gather [hbm4b:s8+s2], $0x28, $0x38;
	[tilespmem:$0x780] =	vst v63  }
0x22: {  	_ =	swait.ge [sflag:s11], $0x28  }
0x23: {  	[sflag:s11] =	ssyncset.done $0x0  }
0x24: {  	[sflag:s11] =	ssyncadd.s32 $0xFFFFFFD8  }
0x25: {  	v3 =	vld [tilespmem:$0x0];
	_ =	sdelay $0x3  }
0x26: {  	v4 =	vld [tilespmem:$0x10]  }
0x27: {  	v3 =	vadd.s32 v0, v3  }
0x28: {  	[tilespmem:$0x80] =	vst v3;
	v5 =	vadd.s32 $0x4B00, v3  }
0x29: {  	v6 =	vld [tilespmem:$0x20];
	v26 =	vadd.s32 $0x9600, v3;
	[tilespmem:$0x100] =	vst v5  }
0x2a: {  	v3 =	vadd.s32 $0xE100, v3;
	[tilespmem:$0x180] =	vst v26  }
0x2b: {  	[tilespmem:$0x200] =	vst v3;
	v3 =	vadd.s32 v4, v1  }
0x2c: {  	[tilespmem:$0x90] =	vst v3;
	v4 =	vadd.s32 $0x4B00, v3  }
0x2d: {  	v27 =	vadd.s32 $0x9600, v3;
	[tilespmem:$0x110] =	vst v4  }
0x2e: {  	v28 =	vadd.s32 v6, v2;
	v3 =	vadd.s32 $0xE100, v3;
	[tilespmem:$0x190] =	vst v27  }
0x2f: {  	[tilespmem:$0x210] =	vst v3;
	v3 =	vnsel vm0, $0x0, v28  }
0x30: {  	[tilespmem:$0xA0] =	vst v3;
	v4 =	vadd.s32 $0x4B00, v3  }
0x31: {  	v29 =	vadd.s32 $0x9600, v3;
	[tilespmem:$0x120] =	vst v4  }
0x32: {  	v3 =	vadd.s32 $0xE100, v3;
	[tilespmem:$0x1A0] =	vst v29  }
0x33: {  	[tilespmem:$0x220] =	vst v3  }
0x34: {  	[tilespmem:s18], [sflag:$0x1] =	stream.indirect.gather [hbm4b:s3+s16], $0x1, s17, s16, $0xb8;
	[tilespmem:$0x780] =	vst v63  }
0x35: {  	_ =	swait.ge [sflag:s19], $0x30  }
0x36: {  	[sflag:s19] =	ssyncset.done $0x0  }
0x37: {  	[sflag:s19] =	ssyncadd.s32 $0xFFFFFFD0  }
0x38: {  	[tilespmem:s21], [sflag:$0x1] =	stream.indirect.gather [hbm4b:s3+s16], $0x1, s20, s16, $0xb8;
	[tilespmem:$0x780] =	vst v63  }
0x39: {  	_ =	swait.ge [sflag:s19], $0x30  }
0x3a: {  	[sflag:s19] =	ssyncset.done $0x0  }
0x3b: {  	[sflag:s19] =	ssyncadd.s32 $0xFFFFFFD0  }
0x3c: {  	[tilespmem:s23], [sflag:$0x1] =	stream.indirect.gather [hbm4b:s3+s16], $0x1, s22, s16, $0xb8;
	[tilespmem:$0x780] =	vst v63  }
0x3d: {  	_ =	swait.ge [sflag:s19], $0x30  }
0x3e: {  	[sflag:s19] =	ssyncset.done $0x0  }
0x3f: {  	[sflag:s19] =	ssyncadd.s32 $0xFFFFFFD0  }
0x40: {  	[tilespmem:s26], [sflag:$0x1] =	stream.indirect.gather [hbm4b:s3+s16], $0x1, s25, s16, $0xb8;
	[tilespmem:$0x780] =	vst v63  }
0x41: {  	_ =	swait.ge [sflag:s19], $0x30  }
0x42: {  	[sflag:s19] =	ssyncset.done $0x0  }
0x43: {  	[sflag:s19] =	ssyncadd.s32 $0xFFFFFFD0  }
0x44: {  	v30 =	vld [tilespmem:$0x280]  }
0x45: {  	v31 =	vld [tilespmem:$0x300]  }
0x46: {  	v7 =	vld [tilespmem:$0x380]  }
0x47: {  	v3 =	vld [tilespmem:$0x400]  }
0x48: {  	v8 =	vld [tilespmem:$0x480]  }
0x49: {  	v10 =	vld [tilespmem:$0x500]  }
0x4a: {  	v9 =	vld [tilespmem:$0x580]  }
0x4b: {  	v4 =	vld [tilespmem:$0x600];
	_ =	sdelay $0x1  }
0x4c: {  	v11 =	vmul.f32 $5.000000000e-01, v7  }
0x4d: {  	v12 =	vsub.f32 v30, v8;
	v13 =	vmul.f32 $5.000000000e-01, v3;
	v6 =	vsub.f32 v31, v10  }
0x4e: {  	v32 =	vmul.f32 $5.000000000e-01, v9;
	v7 =	vsub.f32 v7, v9;
	v14 =	vsub.f32 v30, v11  }
0x4f: {  	v16 =	vmul.f32 $5.000000000e-01, v4;
	v5 =	vadd.f32 v11, v30;
	v15 =	vsub.f32 v31, v13  }
0x50: {  	v13 =	vadd.f32 v13, v31;
	v17 =	vsub.f32 v8, v32  }
0x51: {  	v8 =	vadd.f32 v32, v8;
	v33 =	vsub.f32 v10, v16  }
0x52: {  	v26 =	vld [tilespmem:$0x290];
	v16 =	vadd.f32 v16, v10;
	v12 =	vand.u32 $0x7FFFFFFF, v12;
	v6 =	vand.u32 $0x7FFFFFFF, v6  }
0x53: {  	v9 =	vld [tilespmem:$0x610];
	v6 =	vadd.f32 v6, v12;
	v18 =	vsub.f32 v5, v14  }
0x54: {  	v31 =	vld [tilespmem:$0x3A0];
	v19 =	vsub.f32 v13, v15;
	v20 =	vsub.f32 v8, v17  }
0x55: {  	v12 =	vld [tilespmem:$0x490];
	v21 =	vsub.f32 v16, v33;
	v22 =	vmin.f32 v5, v8;
	v23 =	vmax.f32 v14, v17  }
0x56: {  	v24 =	vmin.f32 v13, v16;
	v25 =	vmax.f32 v15, v33;
	v39 =	vmin.f32 v14, v17;
	v14 =	vld [tilespmem:$0x510]  }
0x57: {  	v5 =	vmax.f32 v5, v8;
	v13 =	vmax.f32 v13, v16;
	v34 =	vsub.f32 v24, v25;
	v25 =	vld [tilespmem:$0x2A0]  }
0x58: {  	v11 =	vmin.f32 v15, v33;
	v22 =	vsub.f32 v22, v23;
	v35 =	vmul.f32 v19, v18;
	v19 =	vld [tilespmem:$0x390]  }
0x59: {  	v5 =	vsub.f32 v5, v39;
	v41 =	vsub.f32 v13, v11;
	v36 =	vmul.f32 v21, v20;
	v18 =	vld [tilespmem:$0x590]  }
0x5a: {  	v46 =	vmul.f32 $5.000000000e-01, v9;
	v37 =	vmax.f32 v22, $0.0e+00;
	v38 =	vmax.f32 v34, $0.0e+00;
	v22 =	vld [tilespmem:$0x410]  }
0x5b: {  	v5 =	vmul.f32 v41, v5;
	v53 =	vmul.f32 $5.000000000e-01, v31;
	v10 =	vadd.f32 v36, v35;
	v35 =	vld [tilespmem:$0x420]  }
0x5c: {  	v20 =	vmul.f32 v38, v37;
	v37 =	vld [tilespmem:$0x620];
	v27 =	vsub.f32 v14, v46;
	v21 =	vadd.f32 v46, v14  }
0x5d: {  	v24 =	vld [tilespmem:$0x310];
	v55 =	vsub.f32 v25, v53;
	v23 =	vadd.f32 v53, v25;
	v40 =	vmul.f32 $5.000000000e-01, v19  }
0x5e: {  	v10 =	vsub.f32 v10, v20;
	v44 =	vmul.f32 $5.000000000e-01, v18;
	v48 =	vsub.f32 v21, v27  }
0x5f: {  	v28 =	vld [tilespmem:$0x320];
	v42 =	vmul.f32 $5.000000000e-01, v22;
	v58 =	vsub.f32 v23, v55;
	v43 =	vsub.f32 v26, v40  }
0x60: {  	v52 =	vld [tilespmem:$0x520];
	(erf) = vrcp.f32 v10;
	v15 =	vadd.f32 v40, v26;
	v47 =	vsub.f32 v12, v44  }
0x61: {  	v16 =	vadd.f32 v44, v12;
	v54 =	vmul.f32 $5.000000000e-01, v35;
	v40 =	vmul.f32 $5.000000000e-01, v37  }
0x62: {  	(erf) = vrcp.f32 v5;
	v45 =	vsub.f32 v24, v42;
	v11 =	vadd.f32 v42, v24  }
0x63: {  	v29 =	vsub.f32 v15, v43;
	v32 =	vsub.f32 v16, v47;
	v33 =	vmin.f32 v15, v16  }
0x64: {  	v34 =	vmax.f32 v43, v47;
	v15 =	vmax.f32 v15, v16;
	v39 =	vsub.f32 v28, v54  }
0x65: {  	v13 =	vmin.f32 v43, v47;
	v57 =	vsub.f32 v52, v40;
	v33 =	vsub.f32 v33, v34;
	v34 =	vld [tilespmem:$0x5A0]  }
0x66: {  	v40 =	vadd.f32 v40, v52;
	v30 =	vsub.f32 v11, v45;
	v49 =	vmin.f32 v11, v21  }
0x67: {  	v51 =	vld [tilespmem:$0x4A0];
	v36 =	vmax.f32 v45, v27;
	v13 =	vsub.f32 v15, v13;
	v15 =	vadd.f32 v54, v28  }
0x68: {  	v11 =	vmax.f32 v11, v21;
	v17 =	vmin.f32 v45, v27;
	v8 =	vmul.f32 v48, v32  }
0x69: {  	v43 =	vsub.f32 v40, v57;
	v47 =	vmax.f32 v39, v57;
	v11 =	vsub.f32 v11, v17  }
0x6a: {  	v21 =	vmin.f32 v39, v57;
	v29 =	vmul.f32 v30, v29;
	v38 =	vmul.f32 $5.000000000e-01, v34  }
0x6b: {  	v50 =	vmax.f32 v33, $0.0e+00;
	v30 =	vsub.f32 v49, v36;
	v41 =	vsub.f32 v15, v39  }
0x6c: {  	v46 =	vmin.f32 v15, v40;
	v56 =	vsub.f32 v51, v38;
	v38 =	vadd.f32 v38, v51  }
0x6d: {  	v15 =	vmax.f32 v15, v40;
	v59 =	vsub.f32 v46, v47;
	v30 =	vmax.f32 v30, $0.0e+00  }
0x6e: {  	v42 =	vsub.f32 v38, v56;
	v44 =	vmin.f32 v23, v38;
	v45 =	vmax.f32 v55, v56  }
0x6f: {  	v8 =	vadd.f32 v8, v29;
	v30 =	vmul.f32 v30, v50;
	v44 =	vsub.f32 v44, v45  }
0x70: {  	v60 =	vmul.f32 v41, v58;
	v63 =	vmax.f32 v59, $0.0e+00;
	v61 =	vmul.f32 v43, v42  }
0x71: {  	v8 =	vsub.f32 v8, v30;
	v23 =	vmax.f32 v23, v38;
	v62 =	vmax.f32 v44, $0.0e+00  }
0x72: {  	v42 =	vmin.f32 v55, v56;
	v41 =	vmul.f32 v63, v62;
	v17 =	vadd.f32 v61, v60  }
0x73: {  	v11 =	vmul.f32 v11, v13;
	v15 =	vsub.f32 v15, v21;
	v23 =	vsub.f32 v23, v42  }
0x74: {  	v3 =	vsub.f32 v3, v4;
	(erf) = vrcp.f32 v8;
	v43 =	vsub.f32 v17, v41  }
0x75: {  	v7 =	vand.u32 $0x7FFFFFFF, v7;
	(erf) = vrcp.f32 v11;
	v44 =	vmul.f32 v15, v23  }
0x76: {  	v6 =	vadd.f32 v7, v6;
	v14 =	vsub.f32 v24, v14;
	v45 =	vpop (erf);
	(erf) = vrcp.f32 v43  }
0x77: {  	v3 =	vand.u32 $0x7FFFFFFF, v3;
	v12 =	vsub.f32 v26, v12;
	(erf) = vrcp.f32 v44  }
0x78: {  	v3 =	vadd.f32 v3, v6;
	v14 =	vand.u32 $0x7FFFFFFF, v14;
	v9 =	vsub.f32 v22, v9  }
0x79: {  	v5 =	vsub.f32 v5, v10;
	v12 =	vand.u32 $0x7FFFFFFF, v12;
	v47 =	vsub.f32 v19, v18  }
0x7a: {  	v52 =	vsub.f32 v28, v52;
	v48 =	vadd.f32 v14, v12  }
0x7b: {  	v9 =	vand.u32 $0x7FFFFFFF, v9;
	v49 =	vand.u32 $0x7FFFFFFF, v47;
	v51 =	vsub.f32 v25, v51  }
0x7c: {  	v12 =	vand.u32 $0x7FFFFFFF, v52;
	v58 =	vsub.f32 v35, v37;
	v6 =	vadd.f32 v49, v48;
	v46 =	vpop (erf)  }
0x7d: {  	v54 =	vsub.f32 v31, v34;
	v8 =	vsub.f32 v11, v8;
	v11 =	vand.u32 $0x7FFFFFFF, v51;
	v50 =	vpop (erf)  }
0x7e: {  	v6 =	vadd.f32 v9, v6;
	v11 =	vadd.f32 v12, v11;
	v53 =	vpop (erf)  }
0x7f: {  	v15 =	vmul.f32 v45, v20;
	v5 =	vmul.f32 v5, v46;
	v4 =	vsub.f32 v44, v43;
	v55 =	vpop (erf)  }
0x80: {  	v56 =	vand.u32 $0x7FFFFFFF, v54;
	v10 =	vmul.f32 v50, v30;
	v8 =	vmul.f32 v8, v53;
	v57 =	vpop (erf)  }
0x81: {  	v59 =	vadd.f32 v56, v11;
	v7 =	vmul.f32 v55, v41;
	v4 =	vmul.f32 v4, v57  }
0x82: {  	v60 =	vand.u32 $0x7FFFFFFF, v58;
	v5 =	vsub.f32 v5, v15;
	v8 =	vsub.f32 v8, v10  }
0x83: {  	v62 =	vadd.f32 v60, v59;
	v4 =	vsub.f32 v4, v7  }
0x84: {  	v5 =	vadd.f32 $1.000000000e+00, v5;
	v61 =	vadd.f32 $1.000000000e+00, v8  }
0x85: {  	v3 =	vadd.f32 v6, v3;
	v4 =	vadd.f32 $1.000000000e+00, v4  }
0x86: {  	v63 =	vnsel vm0, $0x0, v62;
	v5 =	vadd.f32 v61, v5  }
0x87: {  	v3 =	vadd.f32 v63, v3;
	v4 =	vnsel vm0, $0x0, v4  }
0x88: {  	v4 =	vadd.f32 v4, v5  }
0x89: {  	[tilespmem:$0x680] =	vst v3  }
0x8a: {  	[tilespmem:$0x700] =	vst v4  }
0x8b: {  	[hbm4b:s9+s2] =	stream.linear.scatter [tilespmem:s28], [sflag:$0x2], $0x80, $0x38;
	[tilespmem:$0x780] =	vst v63  }
0x8c: {  	_ =	swait.ge [sflag:s11], $0x80  }
0x8d: {  	p0 =	sne.s32 s10, $0x1;
	[sflag:s11] =	ssyncset.done $0x0  }
.Ltmp0:
0x8e: {  	[sflag:s11] =	ssyncadd.s32 $0xFFFFFF80;
	(pc) =	sbr.rel @p0 .LBB2_1-.Ltmp0, $4  }
0x8f: {  	[hbm4b:s24+s2] =	stream.linear.scatter [tilespmem:s29], [sflag:$0x2], $0x80, $0x38;
	[tilespmem:$0x780] =	vst v63  }
0x90: {  	_ =	swait.ge [sflag:s11], $0x80  }
0x91: {  	[sflag:s11] =	ssyncset.done $0x0  }
0x92: {  	s10 =	sadd.s32 $0xFFFFFFFF, s10;
	[sflag:s11] =	ssyncadd.s32 $0xFFFFFF80  }
0x93: {  	_ =	sfence.sel $0x180000  }
0x94: {  	[bflag:$0x0] =	sbarrier.arrive $0xFFFF  }
0x95: {  	p0 =	sne.s32 s0, $0x0;
	_ =	strace $0x90000047  }
0x96: {  	s0 =	sadd.s32 @!p0 $0x100000, s1;
	[bflag:$0x2] =	sbarrier.arrive $0xFFFF  }
0x97: {  	[sflag:s0] =	ssyncadd.tile.s32 @!p0 $0x1;
	_ =	shalt  }
.Lfunc_end2:
_tile_overlayer_lowered:
.L_overlay_start_2:
0x98: {  	(tag) =	ssettag $0x2  }
0x99: {  	s0 =	rddreg [dreg:$0x0];
	s2 =	stileid.u32  }
0x9a: {  	s1 =	rddreg [dreg:$0x1];
	p0 =	sne.s32 s2, $0x0  }
0x9b: {  	s3 =	rddreg [dreg:$0x2];
	[bflag:$0x3] =	sbarrier.arrive $0xFFFF;
	s2 =	simm.s32 @!p0 $0x1C02  }
0x9c: {  	[timem:s3], [sflag:s2] =	dma.local @!p0 [hbm:s0], s1  }
0x9d: {  	s0 =	simm.s32 @!p0 $0x2  }
0x9e: {  	_ =	swait.ge @!p0 [sflag:s0], s1  }
0x9f: {  	s1 =	ssub.s32 @!p0 $0x0, s1;
	[sflag:s0] =	ssyncset.done @!p0 $0x0  }
0xa0: {  	[sflag:s0] =	ssyncadd.s32 @!p0 s1  }
0xa1: {  	[bflag:$0x3] =	sbarrier.arrive $0xFFFF  }
0xa2: {  	_ =	shalt  }

</sc_bundles>
